<compile_context>
chip_gen: v7x
topology: tpu7x:2x2x1
jax: 0.10.2.dev20260603
libtpu: 0.0.44.dev20260713+nightly
codegen_flags: <defaults>
</compile_context>

<pallas_src>
import functools

import jax
import jax.numpy as jnp
import numpy as np
from jax import lax
from jax.experimental import pallas as pl
from jax.experimental.pallas import tpu as pltpu
from jax.experimental.pallas import tpu_sc as plsc

VOCAB = 100000
EMBED = 128
NUM_DENSE = 13
NUM_SPARSE = 26
BATCH = 4096
NFEAT = NUM_SPARSE + 1
NPAD = 32
_BOT_SLOT = 26

_NC = 2
_NS = 16
_NW = _NC * _NS
_CH = 256
_NBUF = 3

_SPLITS = (2048, 2048)
_BB = 512


@functools.lru_cache(maxsize=None)
def _make_sc_gather(nidx):
    b_per_w = nidx // _NW
    nch = b_per_w // _CH
    assert b_per_w % _CH == 0

    @functools.partial(
        pl.kernel,
        mesh=plsc.VectorSubcoreMesh(core_axis_name="c", subcore_axis_name="s"),
        out_type=jax.ShapeDtypeStruct((nidx, EMBED), jnp.float32),
        scratch_types=[
            pltpu.VMEM((b_per_w,), jnp.int32),
            pltpu.VMEM((_NBUF, _CH, EMBED), jnp.float32),
            pltpu.SemaphoreType.DMA((_NBUF,)),
            pltpu.SemaphoreType.DMA((_NBUF,)),
        ],
    )
    def sc_gather(table_hbm, idx_hbm, out_hbm, idx_v, rows_v, gsem, osem):
        wid = lax.axis_index("s") * _NC + lax.axis_index("c")
        base = wid * b_per_w
        pltpu.sync_copy(idx_hbm.at[pl.ds(base, b_per_w)], idx_v)
        gat = [None] * nch
        out = [None] * nch
        for c in range(nch):
            k = c % _NBUF
            if c >= _NBUF:
                out[c - _NBUF].wait()
            gat[c] = pltpu.async_copy(
                table_hbm.at[idx_v.at[pl.ds(c * _CH, _CH)]],
                rows_v.at[k], gsem.at[k])
            if c >= 1:
                p = (c - 1) % _NBUF
                gat[c - 1].wait()
                out[c - 1] = pltpu.async_copy(
                    rows_v.at[p], out_hbm.at[pl.ds(base + (c - 1) * _CH, _CH)],
                    osem.at[p])
        gat[nch - 1].wait()
        out[nch - 1] = pltpu.async_copy(
            rows_v.at[(nch - 1) % _NBUF],
            out_hbm.at[pl.ds(base + (nch - 1) * _CH, _CH)],
            osem.at[(nch - 1) % _NBUF])
        for c in range(max(0, nch - _NBUF), nch):
            out[c].wait()

    return sc_gather


def _mm(a, b):
    return jnp.dot(a.astype(jnp.bfloat16), b,
                   preferred_element_type=jnp.float32)


def _tc_body(dense_ref, emb_ref, wb0, bb0, wb1, bb1, wb2, bb2,
             w0a, u_fold, bt0, wt1, bt1, wt2, bt2, wt3, bt3, wt4, bt4,
             out_ref):
    f32 = jnp.float32
    h = dense_ref[...]
    h = jnp.maximum(_mm(h, wb0[...]) + bb0[...], 0.0)
    h = jnp.maximum(_mm(h, wb1[...]) + bb1[...], 0.0)
    bot = jnp.maximum(_mm(h, wb2[...]) + bb2[...], 0.0)

    emb3 = emb_ref[...].reshape(_BB, NPAD, EMBED)
    slot = lax.broadcasted_iota(jnp.int32, (_BB, NPAD, EMBED), 1)
    feat3 = jnp.where(slot == _BOT_SLOT, bot.reshape(_BB, 1, EMBED), emb3)
    feat3 = feat3.astype(jnp.bfloat16)
    xact = lax.dot_general(
        feat3, feat3, (((2,), (2,)), ((0,), (0,))), preferred_element_type=f32
    )
    xf = xact.reshape(_BB, NPAD * NPAD)

    t = _mm(bot, w0a[...]) + _mm(xf, u_fold[...]) + bt0[...]
    t = jnp.maximum(t, 0.0)
    t = jnp.maximum(_mm(t, wt1[...]) + bt1[...], 0.0)
    t = jnp.maximum(_mm(t, wt2[...]) + bt2[...], 0.0)
    t = jnp.maximum(_mm(t, wt3[...]) + bt3[...], 0.0)
    out_ref[...] = _mm(t, wt4[...]) + bt4[...]


def _full(shape):
    return pl.BlockSpec(shape, lambda i: (0, 0))


def _tc_forward(dense, emb, wb0, bb0, wb1, bb1, wb2, bb2,
                w0a, u_fold, bt0, wt1, bt1, wt2, bt2, wt3, bt3, wt4, bt4):
    nb = dense.shape[0]
    specs = [
        pl.BlockSpec((_BB, NUM_DENSE), lambda i: (i, 0)),
        pl.BlockSpec((_BB * NPAD, EMBED), lambda i: (i, 0)),
        _full(wb0.shape), _full(bb0.shape),
        _full(wb1.shape), _full(bb1.shape),
        _full(wb2.shape), _full(bb2.shape),
        _full(w0a.shape), _full(u_fold.shape), _full(bt0.shape),
        _full(wt1.shape), _full(bt1.shape),
        _full(wt2.shape), _full(bt2.shape),
        _full(wt3.shape), _full(bt3.shape),
        _full(wt4.shape), _full(bt4.shape),
    ]
    return pl.pallas_call(
        _tc_body,
        grid=(nb // _BB,),
        in_specs=specs,
        out_specs=pl.BlockSpec((_BB, 1), lambda i: (i, 0)),
        out_shape=jax.ShapeDtypeStruct((nb, 1), jnp.float32),
    )(dense, emb, wb0, bb0, wb1, bb1, wb2, bb2,
      w0a, u_fold, bt0, wt1, bt1, wt2, bt2, wt3, bt3, wt4, bt4)


_M = np.where(np.arange(NFEAT) == 0, _BOT_SLOT, np.arange(NFEAT) - 1)
_IU, _JU = np.triu_indices(NFEAT)
_TRI_POS = np.asarray(_M[_IU] * NPAD + _M[_JU], dtype=np.int32)


def kernel(x, train, embedding_table, W_bot0, b_bot0, W_bot1, b_bot1,
           W_bot2, b_bot2, W_top0, b_top0, W_top1, b_top1, W_top2, b_top2,
           W_top3, b_top3, W_top4, b_top4):
    del train
    idx2 = x[:, NUM_DENSE:].astype(jnp.int32) % VOCAB
    idx = jnp.concatenate(
        [idx2, jnp.broadcast_to(idx2[:, :1], (BATCH, NPAD - NUM_SPARSE))],
        axis=1).reshape(-1)

    bf16 = jnp.bfloat16
    w0a = W_top0[:EMBED].astype(bf16)
    w0b = W_top0[EMBED:].astype(bf16)
    u_fold = jnp.zeros((NPAD * NPAD, W_top0.shape[1]), bf16)
    u_fold = u_fold.at[_TRI_POS].set(w0b)
    W_bot0, W_bot1, W_bot2, W_top1, W_top2, W_top3, W_top4 = (
        w.astype(bf16)
        for w in (W_bot0, W_bot1, W_bot2, W_top1, W_top2, W_top3, W_top4))

    row = lambda b: b.reshape(1, -1)
    starts = np.concatenate([[0], np.cumsum(_SPLITS)])
    embs = [
        _make_sc_gather(n * NPAD)(
            embedding_table,
            lax.slice_in_dim(idx, int(starts[h]) * NPAD,
                             int(starts[h + 1]) * NPAD))
        for h, n in enumerate(_SPLITS)
    ]
    outs = []
    for h, n in enumerate(_SPLITS):
        dense_h = lax.slice_in_dim(x, int(starts[h]), int(starts[h + 1]))[:, :NUM_DENSE]
        outs.append(_tc_forward(
            dense_h, embs[h], W_bot0, row(b_bot0), W_bot1, row(b_bot1),
            W_bot2, row(b_bot2), w0a, u_fold, row(b_top0), W_top1,
            row(b_top1), W_top2, row(b_top2), W_top3, row(b_top3), W_top4,
            row(b_top4)))
    return jnp.concatenate(outs, axis=0)

# --- scband reference (transcript-rebuilt; emitter-appended) ---
"""Pipeline reference for scband-dlrm-3504693313556 (READ-ONLY COPY).

The authoritative reference and input builder live on the scoring server;
editing this copy changes nothing except your own understanding.
"""

import jax, jax.numpy as jnp
import numpy as np

VOCAB = 100000
EMBED = 128
NUM_DENSE = 13
NUM_SPARSE = 26
BOT_DIMS = [512, 256, 128]
TOP_DIMS = [1024, 1024, 512, 256, 1]
BATCH = 4096


def _glorot(key, shape):
    fan_in, fan_out = shape
    lim = np.sqrt(6.0 / (fan_in + fan_out))
    return jax.random.uniform(key, shape, jnp.float32, -lim, lim)


def setup_inputs(seed: int = 0):
    key = jax.random.key(seed)
    ks = jax.random.split(key, 32)
    dense = jax.random.normal(ks[0], (BATCH, NUM_DENSE), jnp.float32)
    cat = jax.random.randint(ks[1], (BATCH, NUM_SPARSE), 0, VOCAB).astype(jnp.float32)
    x = jnp.concatenate([dense, cat], axis=1)
    inp = {"x": x, "train": False}
    inp["embedding_table"] = jax.random.uniform(ks[2], (VOCAB, EMBED), jnp.float32) * (1.0 / np.sqrt(VOCAB))
    fan_in = NUM_DENSE
    for i, d in enumerate(BOT_DIMS):
        inp[f"W_bot{i}"] = _glorot(ks[3 + 2 * i], (fan_in, d))
        inp[f"b_bot{i}"] = jax.random.normal(ks[4 + 2 * i], (d,), jnp.float32) * np.sqrt(1.0 / d)
        fan_in = d
    n_feat = BOT_DIMS[-1] // EMBED + NUM_SPARSE
    top_in = BOT_DIMS[-1] + n_feat * (n_feat + 1) // 2
    fan_in = top_in
    for i, d in enumerate(TOP_DIMS):
        inp[f"W_top{i}"] = jax.random.normal(ks[12 + 2 * i], (fan_in, d), jnp.float32) * np.sqrt(2.0 / (fan_in + d))
        inp[f"b_top{i}"] = jax.random.normal(ks[13 + 2 * i], (d,), jnp.float32) * np.sqrt(1.0 / d)
        fan_in = d
    return inp


def _dot_interact(feat):
    xact = jnp.matmul(feat, jnp.transpose(feat, [0, 2, 1]))
    f = xact.shape[-1]
    iu = jnp.triu_indices(f)
    acts = xact[:, iu[0], iu[1]]
    return jnp.reshape(acts, [feat.shape[0], -1])


def reference(x, train, embedding_table, W_bot0, b_bot0, W_bot1, b_bot1, W_bot2, b_bot2, W_top0, b_top0, W_top1, b_top1, W_top2, b_top2, W_top3, b_top3, W_top4, b_top4):
    dense = x[:, :NUM_DENSE]
    cat = x[:, NUM_DENSE:].astype(jnp.int32)
    h = dense
    for W, b in [(W_bot0, b_bot0), (W_bot1, b_bot1), (W_bot2, b_bot2)]:
        h = jax.nn.relu(h @ W + b)
    bot_out = h
    B = bot_out.shape[0]
    feature_stack = jnp.reshape(bot_out, [B, -1, EMBED])
    idx = jnp.reshape(cat, [-1]) % VOCAB
    emb = embedding_table[idx]
    emb = jnp.reshape(emb, [B, -1, EMBED])
    feature_stack = jnp.concatenate([feature_stack, emb], axis=1)
    di = _dot_interact(feature_stack)
    t = jnp.concatenate([bot_out, di], axis=-1)
    tops = [(W_top0, b_top0), (W_top1, b_top1), (W_top2, b_top2), (W_top3, b_top3), (W_top4, b_top4)]
    for i, (W, b) in enumerate(tops):
        t = t @ W + b
        if i < len(tops) - 1:
            t = jax.nn.relu(t)
    return t

if __name__ == "__main__":
    import jax
    _d = setup_inputs()
    print(jax.jit(kernel)(*tuple(_d.values())))

</pallas_src>

<mosaic_0001>
#map = affine_map<(d0, d1) -> (0, 0)>
#map1 = affine_map<(d0, d1) -> (0)>
module attributes {stable_mosaic.version = 14 : i64} {
  func.func @sc_gather(%arg0: i32, %arg1: i32, %arg2: memref<100000x128xf32, #tpu.memory_space<hbm>>, %arg3: memref<65536xi32, #tpu.memory_space<hbm>>, %arg4: memref<65536x128xf32, #tpu.memory_space<hbm>>, %arg5: memref<2048xi32, #tpu.memory_space<vmem>>, %arg6: memref<3x256x128xf32, #tpu.memory_space<vmem>>, %arg7: memref<3x!tpu.dma_semaphore, #tpu.memory_space<semaphore_mem>>, %arg8: memref<3x!tpu.dma_semaphore, #tpu.memory_space<semaphore_mem>>) attributes {dimension_semantics = [#tpu.dimension_semantics<core_parallel>, #tpu.dimension_semantics<subcore_parallel>], iteration_bounds = array<i64: 2, 16>, scalar_prefetch = 0 : i64, scratch_operands = 4 : i64, tpu.core_type = #tpu.core_type<sc_vector_subcore>, window_params = [{transform_indices = #map}, {transform_indices = #map1}, {transform_indices = #map}]} {
    %mul3A = arith.constant 2 : i32
    %mul3A_0 = arith.muli %arg1, %mul3A : i32
    %add3A = arith.addi %mul3A_0, %arg0 : i32
    %mul3A_1 = arith.constant 2048 : i32
    %mul3A_2 = arith.muli %add3A, %mul3A_1 : i32
    "tpu.region"() ({
      %run_scoped3A = tpu.sem_alloc : memref<!tpu.dma_semaphore, #tpu.memory_space<semaphore_mem>>
      %dma_start3A_481 = tpu.memref_slice %arg3[%mul3A_2] : memref<65536xi32, #tpu.memory_space<hbm>> -> memref<2048xi32, #tpu.memory_space<hbm>>
      %dma_start3A_482 = tpu.memref_slice %arg3[%mul3A_2] : memref<65536xi32, #tpu.memory_space<hbm>> -> memref<2048xi32, #tpu.memory_space<hbm>>
      tpu.enqueue_dma source(%dma_start3A_482 : memref<2048xi32, #tpu.memory_space<hbm>>) target(%arg5 : memref<2048xi32, #tpu.memory_space<vmem>>) target_semaphore(%run_scoped3A : memref<!tpu.dma_semaphore, #tpu.memory_space<semaphore_mem>>)
      %dma_wait3A_483 = tpu.memref_slice %arg3[%mul3A_2] : memref<65536xi32, #tpu.memory_space<hbm>> -> memref<2048xi32, #tpu.memory_space<hbm>>
      %dma_wait3A_484 = tpu.memref_slice %arg3[%mul3A_2] : memref<65536xi32, #tpu.memory_space<hbm>> -> memref<2048xi32, #tpu.memory_space<hbm>>
      tpu.wait_dma2 semaphore(%run_scoped3A : memref<!tpu.dma_semaphore, #tpu.memory_space<semaphore_mem>>) src(%dma_wait3A_484 : memref<2048xi32, #tpu.memory_space<hbm>>) dst(%arg5 : memref<2048xi32, #tpu.memory_space<vmem>>)
      tpu.yield
    }) : () -> ()
    %dma_start3A = arith.constant 0 : i32
    %dma_start3A_3 = arith.constant 0 : i32
    %dma_start3A_4 = arith.constant 0 : i32
    %dma_start3A_5 = arith.constant 0 : i32
    %dma_start3A_6 = tpu.memref_slice %arg6[%dma_start3A, %dma_start3A_4, %dma_start3A_5] : memref<3x256x128xf32, #tpu.memory_space<vmem>> -> memref<1x256x128xf32, #tpu.memory_space<vmem>>
    %dma_start3A_7 = tpu.memref_squeeze %dma_start3A_6 : memref<1x256x128xf32, #tpu.memory_space<vmem>> -> memref<256x128xf32, #tpu.memory_space<vmem>>
    %dma_start3A_8 = arith.constant 0 : i32
    %dma_start3A_9 = tpu.memref_slice %arg5[%dma_start3A_8] : memref<2048xi32, #tpu.memory_space<vmem>> -> memref<256xi32, #tpu.memory_space<vmem>>
    %dma_start3A_10 = arith.constant 0 : i32
    %dma_start3A_11 = arith.constant 0 : i32
    %dma_start3A_12 = tpu.memref_slice %arg2[%dma_start3A_10, %dma_start3A_11] : memref<100000x128xf32, #tpu.memory_space<hbm>> -> memref<100000x128xf32, #tpu.memory_space<hbm>>
    %dma_start3A_13 = tpu.memref_slice %arg7[%dma_start3A_3] : memref<3x!tpu.dma_semaphore, #tpu.memory_space<semaphore_mem>> -> memref<1x!tpu.dma_semaphore, #tpu.memory_space<semaphore_mem>>
    %dma_start3A_14 = tpu.memref_squeeze %dma_start3A_13 : memref<1x!tpu.dma_semaphore, #tpu.memory_space<semaphore_mem>> -> memref<!tpu.dma_semaphore, #tpu.memory_space<semaphore_mem>>
    tpu.enqueue_indirect_dma source(%dma_start3A_12 : memref<100000x128xf32, #tpu.memory_space<hbm>>) target(%dma_start3A_7 : memref<256x128xf32, #tpu.memory_space<vmem>>) offsets(%dma_start3A_9 : memref<256xi32, #tpu.memory_space<vmem>>) semaphore(%dma_start3A_14 : memref<!tpu.dma_semaphore, #tpu.memory_space<semaphore_mem>>)
    %dma_start3A_15 = arith.constant 1 : i32
    %dma_start3A_16 = arith.constant 1 : i32
    %dma_start3A_17 = arith.constant 0 : i32
    %dma_start3A_18 = arith.constant 0 : i32
    %dma_start3A_19 = tpu.memref_slice %arg6[%dma_start3A_15, %dma_start3A_17, %dma_start3A_18] : memref<3x256x128xf32, #tpu.memory_space<vmem>> -> memref<1x256x128xf32, #tpu.memory_space<vmem>>
    %dma_start3A_20 = tpu.memref_squeeze %dma_start3A_19 : memref<1x256x128xf32, #tpu.memory_space<vmem>> -> memref<256x128xf32, #tpu.memory_space<vmem>>
    %dma_start3A_21 = arith.constant 256 : i32
    %dma_start3A_22 = tpu.memref_slice %arg5[%dma_start3A_21] : memref<2048xi32, #tpu.memory_space<vmem>> -> memref<256xi32, #tpu.memory_space<vmem>>
    %dma_start3A_23 = arith.constant 0 : i32
    %dma_start3A_24 = arith.constant 0 : i32
    %dma_start3A_25 = tpu.memref_slice %arg2[%dma_start3A_23, %dma_start3A_24] : memref<100000x128xf32, #tpu.memory_space<hbm>> -> memref<100000x128xf32, #tpu.memory_space<hbm>>
    %dma_start3A_26 = tpu.memref_slice %arg7[%dma_start3A_16] : memref<3x!tpu.dma_semaphore, #tpu.memory_space<semaphore_mem>> -> memref<1x!tpu.dma_semaphore, #tpu.memory_space<semaphore_mem>>
    %dma_start3A_27 = tpu.memref_squeeze %dma_start3A_26 : memref<1x!tpu.dma_semaphore, #tpu.memory_space<semaphore_mem>> -> memref<!tpu.dma_semaphore, #tpu.memory_space<semaphore_mem>>
    tpu.enqueue_indirect_dma source(%dma_start3A_25 : memref<100000x128xf32, #tpu.memory_space<hbm>>) target(%dma_start3A_20 : memref<256x128xf32, #tpu.memory_space<vmem>>) offsets(%dma_start3A_22 : memref<256xi32, #tpu.memory_space<vmem>>) semaphore(%dma_start3A_27 : memref<!tpu.dma_semaphore, #tpu.memory_space<semaphore_mem>>)
    %dma_wait3A = arith.constant 0 : i32
    %dma_wait3A_28 = arith.constant 0 : i32
    %dma_wait3A_29 = arith.constant 0 : i32
    %dma_wait3A_30 = arith.constant 0 : i32
    %dma_wait3A_31 = tpu.memref_slice %arg6[%dma_wait3A, %dma_wait3A_29, %dma_wait3A_30] : memref<3x256x128xf32, #tpu.memory_space<vmem>> -> memref<1x256x128xf32, #tpu.memory_space<vmem>>
    %dma_wait3A_32 = tpu.memref_squeeze %dma_wait3A_31 : memref<1x256x128xf32, #tpu.memory_space<vmem>> -> memref<256x128xf32, #tpu.memory_space<vmem>>
    %dma_wait3A_33 = arith.constant 0 : i32
    %dma_wait3A_34 = tpu.memref_slice %arg5[%dma_wait3A_33] : memref<2048xi32, #tpu.memory_space<vmem>> -> memref<256xi32, #tpu.memory_space<vmem>>
    %dma_wait3A_35 = arith.constant 0 : i32
    %dma_wait3A_36 = arith.constant 0 : i32
    %dma_wait3A_37 = tpu.memref_slice %arg2[%dma_wait3A_35, %dma_wait3A_36] : memref<100000x128xf32, #tpu.memory_space<hbm>> -> memref<100000x128xf32, #tpu.memory_space<hbm>>
    %dma_wait3A_38 = tpu.memref_slice %arg7[%dma_wait3A_28] : memref<3x!tpu.dma_semaphore, #tpu.memory_space<semaphore_mem>> -> memref<1x!tpu.dma_semaphore, #tpu.memory_space<semaphore_mem>>
    %dma_wait3A_39 = tpu.memref_squeeze %dma_wait3A_38 : memref<1x!tpu.dma_semaphore, #tpu.memory_space<semaphore_mem>> -> memref<!tpu.dma_semaphore, #tpu.memory_space<semaphore_mem>>
    tpu.wait_indirect_dma semaphore(%dma_wait3A_39 : memref<!tpu.dma_semaphore, #tpu.memory_space<semaphore_mem>>) src(%dma_wait3A_37 : memref<100000x128xf32, #tpu.memory_space<hbm>>) dst(%dma_wait3A_32 : memref<256x128xf32, #tpu.memory_space<vmem>>)
    %add3A_40 = arith.constant 0 : i32
    %add3A_41 = arith.addi %mul3A_2, %add3A_40 : i32
    %dma_start3A_42 = arith.constant 0 : i32
    %dma_start3A_43 = arith.constant 0 : i32
    %dma_start3A_44 = arith.constant 0 : i32
    %dma_start3A_45 = arith.constant 0 : i32
    %dma_start3A_46 = tpu.memref_slice %arg6[%dma_start3A_42, %dma_start3A_44, %dma_start3A_45] : memref<3x256x128xf32, #tpu.memory_space<vmem>> -> memref<1x256x128xf32, #tpu.memory_space<vmem>>
    %dma_start3A_47 = tpu.memref_squeeze %dma_start3A_46 : memref<1x256x128xf32, #tpu.memory_space<vmem>> -> memref<256x128xf32, #tpu.memory_space<vmem>>
    %dma_start3A_48 = arith.constant 0 : i32
    %dma_start3A_49 = tpu.memref_slice %arg4[%add3A_41, %dma_start3A_48] : memref<65536x128xf32, #tpu.memory_space<hbm>> -> memref<256x128xf32, #tpu.memory_space<hbm>>
    %dma_start3A_50 = tpu.memref_slice %arg8[%dma_start3A_43] : memref<3x!tpu.dma_semaphore, #tpu.memory_space<semaphore_mem>> -> memref<1x!tpu.dma_semaphore, #tpu.memory_space<semaphore_mem>>
    %dma_start3A_51 = tpu.memref_squeeze %dma_start3A_50 : memref<1x!tpu.dma_semaphore, #tpu.memory_space<semaphore_mem>> -> memref<!tpu.dma_semaphore, #tpu.memory_space<semaphore_mem>>
    %dma_start3A_52 = arith.constant 0 : i32
    %dma_start3A_53 = tpu.memref_slice %arg4[%add3A_41, %dma_start3A_52] : memref<65536x128xf32, #tpu.memory_space<hbm>> -> memref<256x128xf32, #tpu.memory_space<hbm>>
    %dma_start3A_54 = arith.constant 0 : i32
    %dma_start3A_55 = arith.constant 0 : i32
    %dma_start3A_56 = tpu.memref_slice %arg6[%dma_start3A_42, %dma_start3A_54, %dma_start3A_55] : memref<3x256x128xf32, #tpu.memory_space<vmem>> -> memref<1x256x128xf32, #tpu.memory_space<vmem>>
    %dma_start3A_57 = tpu.memref_squeeze %dma_start3A_56 : memref<1x256x128xf32, #tpu.memory_space<vmem>> -> memref<256x128xf32, #tpu.memory_space<vmem>>
    tpu.enqueue_dma source(%dma_start3A_57 : memref<256x128xf32, #tpu.memory_space<vmem>>) target(%dma_start3A_53 : memref<256x128xf32, #tpu.memory_space<hbm>>) target_semaphore(%dma_start3A_51 : memref<!tpu.dma_semaphore, #tpu.memory_space<semaphore_mem>>)
    %dma_start3A_58 = arith.constant 2 : i32
    %dma_start3A_59 = arith.constant 2 : i32
    %dma_start3A_60 = arith.constant 0 : i32
    %dma_start3A_61 = arith.constant 0 : i32
    %dma_start3A_62 = tpu.memref_slice %arg6[%dma_start3A_58, %dma_start3A_60, %dma_start3A_61] : memref<3x256x128xf32, #tpu.memory_space<vmem>> -> memref<1x256x128xf32, #tpu.memory_space<vmem>>
    %dma_start3A_63 = tpu.memref_squeeze %dma_start3A_62 : memref<1x256x128xf32, #tpu.memory_space<vmem>> -> memref<256x128xf32, #tpu.memory_space<vmem>>
    %dma_start3A_64 = arith.constant 512 : i32
    %dma_start3A_65 = tpu.memref_slice %arg5[%dma_start3A_64] : memref<2048xi32, #tpu.memory_space<vmem>> -> memref<256xi32, #tpu.memory_space<vmem>>
    %dma_start3A_66 = arith.constant 0 : i32
    %dma_start3A_67 = arith.constant 0 : i32
    %dma_start3A_68 = tpu.memref_slice %arg2[%dma_start3A_66, %dma_start3A_67] : memref<100000x128xf32, #tpu.memory_space<hbm>> -> memref<100000x128xf32, #tpu.memory_space<hbm>>
    %dma_start3A_69 = tpu.memref_slice %arg7[%dma_start3A_59] : memref<3x!tpu.dma_semaphore, #tpu.memory_space<semaphore_mem>> -> memref<1x!tpu.dma_semaphore, #tpu.memory_space<semaphore_mem>>
    %dma_start3A_70 = tpu.memref_squeeze %dma_start3A_69 : memref<1x!tpu.dma_semaphore, #tpu.memory_space<semaphore_mem>> -> memref<!tpu.dma_semaphore, #tpu.memory_space<semaphore_mem>>
    tpu.enqueue_indirect_dma source(%dma_start3A_68 : memref<100000x128xf32, #tpu.memory_space<hbm>>) target(%dma_start3A_63 : memref<256x128xf32, #tpu.memory_space<vmem>>) offsets(%dma_start3A_65 : memref<256xi32, #tpu.memory_space<vmem>>) semaphore(%dma_start3A_70 : memref<!tpu.dma_semaphore, #tpu.memory_space<semaphore_mem>>)
    %dma_wait3A_71 = arith.constant 1 : i32
    %dma_wait3A_72 = arith.constant 1 : i32
    %dma_wait3A_73 = arith.constant 0 : i32
    %dma_wait3A_74 = arith.constant 0 : i32
    %dma_wait3A_75 = tpu.memref_slice %arg6[%dma_wait3A_71, %dma_wait3A_73, %dma_wait3A_74] : memref<3x256x128xf32, #tpu.memory_space<vmem>> -> memref<1x256x128xf32, #tpu.memory_space<vmem>>
    %dma_wait3A_76 = tpu.memref_squeeze %dma_wait3A_75 : memref<1x256x128xf32, #tpu.memory_space<vmem>> -> memref<256x128xf32, #tpu.memory_space<vmem>>
    %dma_wait3A_77 = arith.constant 256 : i32
    %dma_wait3A_78 = tpu.memref_slice %arg5[%dma_wait3A_77] : memref<2048xi32, #tpu.memory_space<vmem>> -> memref<256xi32, #tpu.memory_space<vmem>>
    %dma_wait3A_79 = arith.constant 0 : i32
    %dma_wait3A_80 = arith.constant 0 : i32
    %dma_wait3A_81 = tpu.memref_slice %arg2[%dma_wait3A_79, %dma_wait3A_80] : memref<100000x128xf32, #tpu.memory_space<hbm>> -> memref<100000x128xf32, #tpu.memory_space<hbm>>
    %dma_wait3A_82 = tpu.memref_slice %arg7[%dma_wait3A_72] : memref<3x!tpu.dma_semaphore, #tpu.memory_space<semaphore_mem>> -> memref<1x!tpu.dma_semaphore, #tpu.memory_space<semaphore_mem>>
    %dma_wait3A_83 = tpu.memref_squeeze %dma_wait3A_82 : memref<1x!tpu.dma_semaphore, #tpu.memory_space<semaphore_mem>> -> memref<!tpu.dma_semaphore, #tpu.memory_space<semaphore_mem>>
    tpu.wait_indirect_dma semaphore(%dma_wait3A_83 : memref<!tpu.dma_semaphore, #tpu.memory_space<semaphore_mem>>) src(%dma_wait3A_81 : memref<100000x128xf32, #tpu.memory_space<hbm>>) dst(%dma_wait3A_76 : memref<256x128xf32, #tpu.memory_space<vmem>>)
    %add3A_84 = arith.constant 256 : i32
    %add3A_85 = arith.addi %mul3A_2, %add3A_84 : i32
    %dma_start3A_86 = arith.constant 1 : i32
    %dma_start3A_87 = arith.constant 1 : i32
    %dma_start3A_88 = arith.constant 0 : i32
    %dma_start3A_89 = arith.constant 0 : i32
    %dma_start3A_90 = tpu.memref_slice %arg6[%dma_start3A_86, %dma_start3A_88, %dma_start3A_89] : memref<3x256x128xf32, #tpu.memory_space<vmem>> -> memref<1x256x128xf32, #tpu.memory_space<vmem>>
    %dma_start3A_91 = tpu.memref_squeeze %dma_start3A_90 : memref<1x256x128xf32, #tpu.memory_space<vmem>> -> memref<256x128xf32, #tpu.memory_space<vmem>>
    %dma_start3A_92 = arith.constant 0 : i32
    %dma_start3A_93 = tpu.memref_slice %arg4[%add3A_85, %dma_start3A_92] : memref<65536x128xf32, #tpu.memory_space<hbm>> -> memref<256x128xf32, #tpu.memory_space<hbm>>
    %dma_start3A_94 = tpu.memref_slice %arg8[%dma_start3A_87] : memref<3x!tpu.dma_semaphore, #tpu.memory_space<semaphore_mem>> -> memref<1x!tpu.dma_semaphore, #tpu.memory_space<semaphore_mem>>
    %dma_start3A_95 = tpu.memref_squeeze %dma_start3A_94 : memref<1x!tpu.dma_semaphore, #tpu.memory_space<semaphore_mem>> -> memref<!tpu.dma_semaphore, #tpu.memory_space<semaphore_mem>>
    %dma_start3A_96 = arith.constant 0 : i32
    %dma_start3A_97 = tpu.memref_slice %arg4[%add3A_85, %dma_start3A_96] : memref<65536x128xf32, #tpu.memory_space<hbm>> -> memref<256x128xf32, #tpu.memory_space<hbm>>
    %dma_start3A_98 = arith.constant 0 : i32
    %dma_start3A_99 = arith.constant 0 : i32
    %dma_start3A_100 = tpu.memref_slice %arg6[%dma_start3A_86, %dma_start3A_98, %dma_start3A_99] : memref<3x256x128xf32, #tpu.memory_space<vmem>> -> memref<1x256x128xf32, #tpu.memory_space<vmem>>
    %dma_start3A_101 = tpu.memref_squeeze %dma_start3A_100 : memref<1x256x128xf32, #tpu.memory_space<vmem>> -> memref<256x128xf32, #tpu.memory_space<vmem>>
    tpu.enqueue_dma source(%dma_start3A_101 : memref<256x128xf32, #tpu.memory_space<vmem>>) target(%dma_start3A_97 : memref<256x128xf32, #tpu.memory_space<hbm>>) target_semaphore(%dma_start3A_95 : memref<!tpu.dma_semaphore, #tpu.memory_space<semaphore_mem>>)
    %dma_wait3A_102 = arith.constant 0 : i32
    %dma_wait3A_103 = arith.constant 0 : i32
    %dma_wait3A_104 = arith.constant 0 : i32
    %dma_wait3A_105 = arith.constant 0 : i32
    %dma_wait3A_106 = tpu.memref_slice %arg6[%dma_wait3A_102, %dma_wait3A_104, %dma_wait3A_105] : memref<3x256x128xf32, #tpu.memory_space<vmem>> -> memref<1x256x128xf32, #tpu.memory_space<vmem>>
    %dma_wait3A_107 = tpu.memref_squeeze %dma_wait3A_106 : memref<1x256x128xf32, #tpu.memory_space<vmem>> -> memref<256x128xf32, #tpu.memory_space<vmem>>
    %dma_wait3A_108 = arith.constant 0 : i32
    %dma_wait3A_109 = tpu.memref_slice %arg4[%add3A_41, %dma_wait3A_108] : memref<65536x128xf32, #tpu.memory_space<hbm>> -> memref<256x128xf32, #tpu.memory_space<hbm>>
    %dma_wait3A_110 = tpu.memref_slice %arg8[%dma_wait3A_103] : memref<3x!tpu.dma_semaphore, #tpu.memory_space<semaphore_mem>> -> memref<1x!tpu.dma_semaphore, #tpu.memory_space<semaphore_mem>>
    %dma_wait3A_111 = tpu.memref_squeeze %dma_wait3A_110 : memref<1x!tpu.dma_semaphore, #tpu.memory_space<semaphore_mem>> -> memref<!tpu.dma_semaphore, #tpu.memory_space<semaphore_mem>>
    %dma_wait3A_112 = arith.constant 0 : i32
    %dma_wait3A_113 = tpu.memref_slice %arg4[%add3A_41, %dma_wait3A_112] : memref<65536x128xf32, #tpu.memory_space<hbm>> -> memref<256x128xf32, #tpu.memory_space<hbm>>
    %dma_wait3A_114 = arith.constant 0 : i32
    %dma_wait3A_115 = arith.constant 0 : i32
    %dma_wait3A_116 = tpu.memref_slice %arg6[%dma_wait3A_102, %dma_wait3A_114, %dma_wait3A_115] : memref<3x256x128xf32, #tpu.memory_space<vmem>> -> memref<1x256x128xf32, #tpu.memory_space<vmem>>
    %dma_wait3A_117 = tpu.memref_squeeze %dma_wait3A_116 : memref<1x256x128xf32, #tpu.memory_space<vmem>> -> memref<256x128xf32, #tpu.memory_space<vmem>>
    tpu.wait_dma2 semaphore(%dma_wait3A_111 : memref<!tpu.dma_semaphore, #tpu.memory_space<semaphore_mem>>) src(%dma_wait3A_117 : memref<256x128xf32, #tpu.memory_space<vmem>>) dst(%dma_wait3A_113 : memref<256x128xf32, #tpu.memory_space<hbm>>)
    %dma_start3A_118 = arith.constant 0 : i32
    %dma_start3A_119 = arith.constant 0 : i32
    %dma_start3A_120 = arith.constant 0 : i32
    %dma_start3A_121 = arith.constant 0 : i32
    %dma_start3A_122 = tpu.memref_slice %arg6[%dma_start3A_118, %dma_start3A_120, %dma_start3A_121] : memref<3x256x128xf32, #tpu.memory_space<vmem>> -> memref<1x256x128xf32, #tpu.memory_space<vmem>>
    %dma_start3A_123 = tpu.memref_squeeze %dma_start3A_122 : memref<1x256x128xf32, #tpu.memory_space<vmem>> -> memref<256x128xf32, #tpu.memory_space<vmem>>
    %dma_start3A_124 = arith.constant 768 : i32
    %dma_start3A_125 = tpu.memref_slice %arg5[%dma_start3A_124] : memref<2048xi32, #tpu.memory_space<vmem>> -> memref<256xi32, #tpu.memory_space<vmem>>
    %dma_start3A_126 = arith.constant 0 : i32
    %dma_start3A_127 = arith.constant 0 : i32
    %dma_start3A_128 = tpu.memref_slice %arg2[%dma_start3A_126, %dma_start3A_127] : memref<100000x128xf32, #tpu.memory_space<hbm>> -> memref<100000x128xf32, #tpu.memory_space<hbm>>
    %dma_start3A_129 = tpu.memref_slice %arg7[%dma_start3A_119] : memref<3x!tpu.dma_semaphore, #tpu.memory_space<semaphore_mem>> -> memref<1x!tpu.dma_semaphore, #tpu.memory_space<semaphore_mem>>
    %dma_start3A_130 = tpu.memref_squeeze %dma_start3A_129 : memref<1x!tpu.dma_semaphore, #tpu.memory_space<semaphore_mem>> -> memref<!tpu.dma_semaphore, #tpu.memory_space<semaphore_mem>>
    tpu.enqueue_indirect_dma source(%dma_start3A_128 : memref<100000x128xf32, #tpu.memory_space<hbm>>) target(%dma_start3A_123 : memref<256x128xf32, #tpu.memory_space<vmem>>) offsets(%dma_start3A_125 : memref<256xi32, #tpu.memory_space<vmem>>) semaphore(%dma_start3A_130 : memref<!tpu.dma_semaphore, #tpu.memory_space<semaphore_mem>>)
    %dma_wait3A_131 = arith.constant 2 : i32
    %dma_wait3A_132 = arith.constant 2 : i32
    %dma_wait3A_133 = arith.constant 0 : i32
    %dma_wait3A_134 = arith.constant 0 : i32
    %dma_wait3A_135 = tpu.memref_slice %arg6[%dma_wait3A_131, %dma_wait3A_133, %dma_wait3A_134] : memref<3x256x128xf32, #tpu.memory_space<vmem>> -> memref<1x256x128xf32, #tpu.memory_space<vmem>>
    %dma_wait3A_136 = tpu.memref_squeeze %dma_wait3A_135 : memref<1x256x128xf32, #tpu.memory_space<vmem>> -> memref<256x128xf32, #tpu.memory_space<vmem>>
    %dma_wait3A_137 = arith.constant 512 : i32
    %dma_wait3A_138 = tpu.memref_slice %arg5[%dma_wait3A_137] : memref<2048xi32, #tpu.memory_space<vmem>> -> memref<256xi32, #tpu.memory_space<vmem>>
    %dma_wait3A_139 = arith.constant 0 : i32
    %dma_wait3A_140 = arith.constant 0 : i32
    %dma_wait3A_141 = tpu.memref_slice %arg2[%dma_wait3A_139, %dma_wait3A_140] : memref<100000x128xf32, #tpu.memory_space<hbm>> -> memref<100000x128xf32, #tpu.memory_space<hbm>>
    %dma_wait3A_142 = tpu.memref_slice %arg7[%dma_wait3A_132] : memref<3x!tpu.dma_semaphore, #tpu.memory_space<semaphore_mem>> -> memref<1x!tpu.dma_semaphore, #tpu.memory_space<semaphore_mem>>
    %dma_wait3A_143 = tpu.memref_squeeze %dma_wait3A_142 : memref<1x!tpu.dma_semaphore, #tpu.memory_space<semaphore_mem>> -> memref<!tpu.dma_semaphore, #tpu.memory_space<semaphore_mem>>
    tpu.wait_indirect_dma semaphore(%dma_wait3A_143 : memref<!tpu.dma_semaphore, #tpu.memory_space<semaphore_mem>>) src(%dma_wait3A_141 : memref<100000x128xf32, #tpu.memory_space<hbm>>) dst(%dma_wait3A_136 : memref<256x128xf32, #tpu.memory_space<vmem>>)
    %add3A_144 = arith.constant 512 : i32
    %add3A_145 = arith.addi %mul3A_2, %add3A_144 : i32
    %dma_start3A_146 = arith.constant 2 : i32
    %dma_start3A_147 = arith.constant 2 : i32
    %dma_start3A_148 = arith.constant 0 : i32
    %dma_start3A_149 = arith.constant 0 : i32
    %dma_start3A_150 = tpu.memref_slice %arg6[%dma_start3A_146, %dma_start3A_148, %dma_start3A_149] : memref<3x256x128xf32, #tpu.memory_space<vmem>> -> memref<1x256x128xf32, #tpu.memory_space<vmem>>
    %dma_start3A_151 = tpu.memref_squeeze %dma_start3A_150 : memref<1x256x128xf32, #tpu.memory_space<vmem>> -> memref<256x128xf32, #tpu.memory_space<vmem>>
    %dma_start3A_152 = arith.constant 0 : i32
    %dma_start3A_153 = tpu.memref_slice %arg4[%add3A_145, %dma_start3A_152] : memref<65536x128xf32, #tpu.memory_space<hbm>> -> memref<256x128xf32, #tpu.memory_space<hbm>>
    %dma_start3A_154 = tpu.memref_slice %arg8[%dma_start3A_147] : memref<3x!tpu.dma_semaphore, #tpu.memory_space<semaphore_mem>> -> memref<1x!tpu.dma_semaphore, #tpu.memory_space<semaphore_mem>>
    %dma_start3A_155 = tpu.memref_squeeze %dma_start3A_154 : memref<1x!tpu.dma_semaphore, #tpu.memory_space<semaphore_mem>> -> memref<!tpu.dma_semaphore, #tpu.memory_space<semaphore_mem>>
    %dma_start3A_156 = arith.constant 0 : i32
    %dma_start3A_157 = tpu.memref_slice %arg4[%add3A_145, %dma_start3A_156] : memref<65536x128xf32, #tpu.memory_space<hbm>> -> memref<256x128xf32, #tpu.memory_space<hbm>>
    %dma_start3A_158 = arith.constant 0 : i32
    %dma_start3A_159 = arith.constant 0 : i32
    %dma_start3A_160 = tpu.memref_slice %arg6[%dma_start3A_146, %dma_start3A_158, %dma_start3A_159] : memref<3x256x128xf32, #tpu.memory_space<vmem>> -> memref<1x256x128xf32, #tpu.memory_space<vmem>>
    %dma_start3A_161 = tpu.memref_squeeze %dma_start3A_160 : memref<1x256x128xf32, #tpu.memory_space<vmem>> -> memref<256x128xf32, #tpu.memory_space<vmem>>
    tpu.enqueue_dma source(%dma_start3A_161 : memref<256x128xf32, #tpu.memory_space<vmem>>) target(%dma_start3A_157 : memref<256x128xf32, #tpu.memory_space<hbm>>) target_semaphore(%dma_start3A_155 : memref<!tpu.dma_semaphore, #tpu.memory_space<semaphore_mem>>)
    %dma_wait3A_162 = arith.constant 1 : i32
    %dma_wait3A_163 = arith.constant 1 : i32
    %dma_wait3A_164 = arith.constant 0 : i32
    %dma_wait3A_165 = arith.constant 0 : i32
    %dma_wait3A_166 = tpu.memref_slice %arg6[%dma_wait3A_162, %dma_wait3A_164, %dma_wait3A_165] : memref<3x256x128xf32, #tpu.memory_space<vmem>> -> memref<1x256x128xf32, #tpu.memory_space<vmem>>
    %dma_wait3A_167 = tpu.memref_squeeze %dma_wait3A_166 : memref<1x256x128xf32, #tpu.memory_space<vmem>> -> memref<256x128xf32, #tpu.memory_space<vmem>>
    %dma_wait3A_168 = arith.constant 0 : i32
    %dma_wait3A_169 = tpu.memref_slice %arg4[%add3A_85, %dma_wait3A_168] : memref<65536x128xf32, #tpu.memory_space<hbm>> -> memref<256x128xf32, #tpu.memory_space<hbm>>
    %dma_wait3A_170 = tpu.memref_slice %arg8[%dma_wait3A_163] : memref<3x!tpu.dma_semaphore, #tpu.memory_space<semaphore_mem>> -> memref<1x!tpu.dma_semaphore, #tpu.memory_space<semaphore_mem>>
    %dma_wait3A_171 = tpu.memref_squeeze %dma_wait3A_170 : memref<1x!tpu.dma_semaphore, #tpu.memory_space<semaphore_mem>> -> memref<!tpu.dma_semaphore, #tpu.memory_space<semaphore_mem>>
    %dma_wait3A_172 = arith.constant 0 : i32
    %dma_wait3A_173 = tpu.memref_slice %arg4[%add3A_85, %dma_wait3A_172] : memref<65536x128xf32, #tpu.memory_space<hbm>> -> memref<256x128xf32, #tpu.memory_space<hbm>>
    %dma_wait3A_174 = arith.constant 0 : i32
    %dma_wait3A_175 = arith.constant 0 : i32
    %dma_wait3A_176 = tpu.memref_slice %arg6[%dma_wait3A_162, %dma_wait3A_174, %dma_wait3A_175] : memref<3x256x128xf32, #tpu.memory_space<vmem>> -> memref<1x256x128xf32, #tpu.memory_space<vmem>>
    %dma_wait3A_177 = tpu.memref_squeeze %dma_wait3A_176 : memref<1x256x128xf32, #tpu.memory_space<vmem>> -> memref<256x128xf32, #tpu.memory_space<vmem>>
    tpu.wait_dma2 semaphore(%dma_wait3A_171 : memref<!tpu.dma_semaphore, #tpu.memory_space<semaphore_mem>>) src(%dma_wait3A_177 : memref<256x128xf32, #tpu.memory_space<vmem>>) dst(%dma_wait3A_173 : memref<256x128xf32, #tpu.memory_space<hbm>>)
    %dma_start3A_178 = arith.constant 1 : i32
    %dma_start3A_179 = arith.constant 1 : i32
    %dma_start3A_180 = arith.constant 0 : i32
    %dma_start3A_181 = arith.constant 0 : i32
    %dma_start3A_182 = tpu.memref_slice %arg6[%dma_start3A_178, %dma_start3A_180, %dma_start3A_181] : memref<3x256x128xf32, #tpu.memory_space<vmem>> -> memref<1x256x128xf32, #tpu.memory_space<vmem>>
    %dma_start3A_183 = tpu.memref_squeeze %dma_start3A_182 : memref<1x256x128xf32, #tpu.memory_space<vmem>> -> memref<256x128xf32, #tpu.memory_space<vmem>>
    %dma_start3A_184 = arith.constant 1024 : i32
    %dma_start3A_185 = tpu.memref_slice %arg5[%dma_start3A_184] : memref<2048xi32, #tpu.memory_space<vmem>> -> memref<256xi32, #tpu.memory_space<vmem>>
    %dma_start3A_186 = arith.constant 0 : i32
    %dma_start3A_187 = arith.constant 0 : i32
    %dma_start3A_188 = tpu.memref_slice %arg2[%dma_start3A_186, %dma_start3A_187] : memref<100000x128xf32, #tpu.memory_space<hbm>> -> memref<100000x128xf32, #tpu.memory_space<hbm>>
    %dma_start3A_189 = tpu.memref_slice %arg7[%dma_start3A_179] : memref<3x!tpu.dma_semaphore, #tpu.memory_space<semaphore_mem>> -> memref<1x!tpu.dma_semaphore, #tpu.memory_space<semaphore_mem>>
    %dma_start3A_190 = tpu.memref_squeeze %dma_start3A_189 : memref<1x!tpu.dma_semaphore, #tpu.memory_space<semaphore_mem>> -> memref<!tpu.dma_semaphore, #tpu.memory_space<semaphore_mem>>
    tpu.enqueue_indirect_dma source(%dma_start3A_188 : memref<100000x128xf32, #tpu.memory_space<hbm>>) target(%dma_start3A_183 : memref<256x128xf32, #tpu.memory_space<vmem>>) offsets(%dma_start3A_185 : memref<256xi32, #tpu.memory_space<vmem>>) semaphore(%dma_start3A_190 : memref<!tpu.dma_semaphore, #tpu.memory_space<semaphore_mem>>)
    %dma_wait3A_191 = arith.constant 0 : i32
    %dma_wait3A_192 = arith.constant 0 : i32
    %dma_wait3A_193 = arith.constant 0 : i32
    %dma_wait3A_194 = arith.constant 0 : i32
    %dma_wait3A_195 = tpu.memref_slice %arg6[%dma_wait3A_191, %dma_wait3A_193, %dma_wait3A_194] : memref<3x256x128xf32, #tpu.memory_space<vmem>> -> memref<1x256x128xf32, #tpu.memory_space<vmem>>
    %dma_wait3A_196 = tpu.memref_squeeze %dma_wait3A_195 : memref<1x256x128xf32, #tpu.memory_space<vmem>> -> memref<256x128xf32, #tpu.memory_space<vmem>>
    %dma_wait3A_197 = arith.constant 768 : i32
    %dma_wait3A_198 = tpu.memref_slice %arg5[%dma_wait3A_197] : memref<2048xi32, #tpu.memory_space<vmem>> -> memref<256xi32, #tpu.memory_space<vmem>>
    %dma_wait3A_199 = arith.constant 0 : i32
    %dma_wait3A_200 = arith.constant 0 : i32
    %dma_wait3A_201 = tpu.memref_slice %arg2[%dma_wait3A_199, %dma_wait3A_200] : memref<100000x128xf32, #tpu.memory_space<hbm>> -> memref<100000x128xf32, #tpu.memory_space<hbm>>
    %dma_wait3A_202 = tpu.memref_slice %arg7[%dma_wait3A_192] : memref<3x!tpu.dma_semaphore, #tpu.memory_space<semaphore_mem>> -> memref<1x!tpu.dma_semaphore, #tpu.memory_space<semaphore_mem>>
    %dma_wait3A_203 = tpu.memref_squeeze %dma_wait3A_202 : memref<1x!tpu.dma_semaphore, #tpu.memory_space<semaphore_mem>> -> memref<!tpu.dma_semaphore, #tpu.memory_space<semaphore_mem>>
    tpu.wait_indirect_dma semaphore(%dma_wait3A_203 : memref<!tpu.dma_semaphore, #tpu.memory_space<semaphore_mem>>) src(%dma_wait3A_201 : memref<100000x128xf32, #tpu.memory_space<hbm>>) dst(%dma_wait3A_196 : memref<256x128xf32, #tpu.memory_space<vmem>>)
    %add3A_204 = arith.constant 768 : i32
    %add3A_205 = arith.addi %mul3A_2, %add3A_204 : i32
    %dma_start3A_206 = arith.constant 0 : i32
    %dma_start3A_207 = arith.constant 0 : i32
    %dma_start3A_208 = arith.constant 0 : i32
    %dma_start3A_209 = arith.constant 0 : i32
    %dma_start3A_210 = tpu.memref_slice %arg6[%dma_start3A_206, %dma_start3A_208, %dma_start3A_209] : memref<3x256x128xf32, #tpu.memory_space<vmem>> -> memref<1x256x128xf32, #tpu.memory_space<vmem>>
    %dma_start3A_211 = tpu.memref_squeeze %dma_start3A_210 : memref<1x256x128xf32, #tpu.memory_space<vmem>> -> memref<256x128xf32, #tpu.memory_space<vmem>>
    %dma_start3A_212 = arith.constant 0 : i32
    %dma_start3A_213 = tpu.memref_slice %arg4[%add3A_205, %dma_start3A_212] : memref<65536x128xf32, #tpu.memory_space<hbm>> -> memref<256x128xf32, #tpu.memory_space<hbm>>
    %dma_start3A_214 = tpu.memref_slice %arg8[%dma_start3A_207] : memref<3x!tpu.dma_semaphore, #tpu.memory_space<semaphore_mem>> -> memref<1x!tpu.dma_semaphore, #tpu.memory_space<semaphore_mem>>
    %dma_start3A_215 = tpu.memref_squeeze %dma_start3A_214 : memref<1x!tpu.dma_semaphore, #tpu.memory_space<semaphore_mem>> -> memref<!tpu.dma_semaphore, #tpu.memory_space<semaphore_mem>>
    %dma_start3A_216 = arith.constant 0 : i32
    %dma_start3A_217 = tpu.memref_slice %arg4[%add3A_205, %dma_start3A_216] : memref<65536x128xf32, #tpu.memory_space<hbm>> -> memref<256x128xf32, #tpu.memory_space<hbm>>
    %dma_start3A_218 = arith.constant 0 : i32
    %dma_start3A_219 = arith.constant 0 : i32
    %dma_start3A_220 = tpu.memref_slice %arg6[%dma_start3A_206, %dma_start3A_218, %dma_start3A_219] : memref<3x256x128xf32, #tpu.memory_space<vmem>> -> memref<1x256x128xf32, #tpu.memory_space<vmem>>
    %dma_start3A_221 = tpu.memref_squeeze %dma_start3A_220 : memref<1x256x128xf32, #tpu.memory_space<vmem>> -> memref<256x128xf32, #tpu.memory_space<vmem>>
    tpu.enqueue_dma source(%dma_start3A_221 : memref<256x128xf32, #tpu.memory_space<vmem>>) target(%dma_start3A_217 : memref<256x128xf32, #tpu.memory_space<hbm>>) target_semaphore(%dma_start3A_215 : memref<!tpu.dma_semaphore, #tpu.memory_space<semaphore_mem>>)
    %dma_wait3A_222 = arith.constant 2 : i32
    %dma_wait3A_223 = arith.constant 2 : i32
    %dma_wait3A_224 = arith.constant 0 : i32
    %dma_wait3A_225 = arith.constant 0 : i32
    %dma_wait3A_226 = tpu.memref_slice %arg6[%dma_wait3A_222, %dma_wait3A_224, %dma_wait3A_225] : memref<3x256x128xf32, #tpu.memory_space<vmem>> -> memref<1x256x128xf32, #tpu.memory_space<vmem>>
    %dma_wait3A_227 = tpu.memref_squeeze %dma_wait3A_226 : memref<1x256x128xf32, #tpu.memory_space<vmem>> -> memref<256x128xf32, #tpu.memory_space<vmem>>
    %dma_wait3A_228 = arith.constant 0 : i32
    %dma_wait3A_229 = tpu.memref_slice %arg4[%add3A_145, %dma_wait3A_228] : memref<65536x128xf32, #tpu.memory_space<hbm>> -> memref<256x128xf32, #tpu.memory_space<hbm>>
    %dma_wait3A_230 = tpu.memref_slice %arg8[%dma_wait3A_223] : memref<3x!tpu.dma_semaphore, #tpu.memory_space<semaphore_mem>> -> memref<1x!tpu.dma_semaphore, #tpu.memory_space<semaphore_mem>>
    %dma_wait3A_231 = tpu.memref_squeeze %dma_wait3A_230 : memref<1x!tpu.dma_semaphore, #tpu.memory_space<semaphore_mem>> -> memref<!tpu.dma_semaphore, #tpu.memory_space<semaphore_mem>>
    %dma_wait3A_232 = arith.constant 0 : i32
    %dma_wait3A_233 = tpu.memref_slice %arg4[%add3A_145, %dma_wait3A_232] : memref<65536x128xf32, #tpu.memory_space<hbm>> -> memref<256x128xf32, #tpu.memory_space<hbm>>
    %dma_wait3A_234 = arith.constant 0 : i32
    %dma_wait3A_235 = arith.constant 0 : i32
    %dma_wait3A_236 = tpu.memref_slice %arg6[%dma_wait3A_222, %dma_wait3A_234, %dma_wait3A_235] : memref<3x256x128xf32, #tpu.memory_space<vmem>> -> memref<1x256x128xf32, #tpu.memory_space<vmem>>
    %dma_wait3A_237 = tpu.memref_squeeze %dma_wait3A_236 : memref<1x256x128xf32, #tpu.memory_space<vmem>> -> memref<256x128xf32, #tpu.memory_space<vmem>>
    tpu.wait_dma2 semaphore(%dma_wait3A_231 : memref<!tpu.dma_semaphore, #tpu.memory_space<semaphore_mem>>) src(%dma_wait3A_237 : memref<256x128xf32, #tpu.memory_space<vmem>>) dst(%dma_wait3A_233 : memref<256x128xf32, #tpu.memory_space<hbm>>)
    %dma_start3A_238 = arith.constant 2 : i32
    %dma_start3A_239 = arith.constant 2 : i32
    %dma_start3A_240 = arith.constant 0 : i32
    %dma_start3A_241 = arith.constant 0 : i32
    %dma_start3A_242 = tpu.memref_slice %arg6[%dma_start3A_238, %dma_start3A_240, %dma_start3A_241] : memref<3x256x128xf32, #tpu.memory_space<vmem>> -> memref<1x256x128xf32, #tpu.memory_space<vmem>>
    %dma_start3A_243 = tpu.memref_squeeze %dma_start3A_242 : memref<1x256x128xf32, #tpu.memory_space<vmem>> -> memref<256x128xf32, #tpu.memory_space<vmem>>
    %dma_start3A_244 = arith.constant 1280 : i32
    %dma_start3A_245 = tpu.memref_slice %arg5[%dma_start3A_244] : memref<2048xi32, #tpu.memory_space<vmem>> -> memref<256xi32, #tpu.memory_space<vmem>>
    %dma_start3A_246 = arith.constant 0 : i32
    %dma_start3A_247 = arith.constant 0 : i32
    %dma_start3A_248 = tpu.memref_slice %arg2[%dma_start3A_246, %dma_start3A_247] : memref<100000x128xf32, #tpu.memory_space<hbm>> -> memref<100000x128xf32, #tpu.memory_space<hbm>>
    %dma_start3A_249 = tpu.memref_slice %arg7[%dma_start3A_239] : memref<3x!tpu.dma_semaphore, #tpu.memory_space<semaphore_mem>> -> memref<1x!tpu.dma_semaphore, #tpu.memory_space<semaphore_mem>>
    %dma_start3A_250 = tpu.memref_squeeze %dma_start3A_249 : memref<1x!tpu.dma_semaphore, #tpu.memory_space<semaphore_mem>> -> memref<!tpu.dma_semaphore, #tpu.memory_space<semaphore_mem>>
    tpu.enqueue_indirect_dma source(%dma_start3A_248 : memref<100000x128xf32, #tpu.memory_space<hbm>>) target(%dma_start3A_243 : memref<256x128xf32, #tpu.memory_space<vmem>>) offsets(%dma_start3A_245 : memref<256xi32, #tpu.memory_space<vmem>>) semaphore(%dma_start3A_250 : memref<!tpu.dma_semaphore, #tpu.memory_space<semaphore_mem>>)
    %dma_wait3A_251 = arith.constant 1 : i32
    %dma_wait3A_252 = arith.constant 1 : i32
    %dma_wait3A_253 = arith.constant 0 : i32
    %dma_wait3A_254 = arith.constant 0 : i32
    %dma_wait3A_255 = tpu.memref_slice %arg6[%dma_wait3A_251, %dma_wait3A_253, %dma_wait3A_254] : memref<3x256x128xf32, #tpu.memory_space<vmem>> -> memref<1x256x128xf32, #tpu.memory_space<vmem>>
    %dma_wait3A_256 = tpu.memref_squeeze %dma_wait3A_255 : memref<1x256x128xf32, #tpu.memory_space<vmem>> -> memref<256x128xf32, #tpu.memory_space<vmem>>
    %dma_wait3A_257 = arith.constant 1024 : i32
    %dma_wait3A_258 = tpu.memref_slice %arg5[%dma_wait3A_257] : memref<2048xi32, #tpu.memory_space<vmem>> -> memref<256xi32, #tpu.memory_space<vmem>>
    %dma_wait3A_259 = arith.constant 0 : i32
    %dma_wait3A_260 = arith.constant 0 : i32
    %dma_wait3A_261 = tpu.memref_slice %arg2[%dma_wait3A_259, %dma_wait3A_260] : memref<100000x128xf32, #tpu.memory_space<hbm>> -> memref<100000x128xf32, #tpu.memory_space<hbm>>
    %dma_wait3A_262 = tpu.memref_slice %arg7[%dma_wait3A_252] : memref<3x!tpu.dma_semaphore, #tpu.memory_space<semaphore_mem>> -> memref<1x!tpu.dma_semaphore, #tpu.memory_space<semaphore_mem>>
    %dma_wait3A_263 = tpu.memref_squeeze %dma_wait3A_262 : memref<1x!tpu.dma_semaphore, #tpu.memory_space<semaphore_mem>> -> memref<!tpu.dma_semaphore, #tpu.memory_space<semaphore_mem>>
    tpu.wait_indirect_dma semaphore(%dma_wait3A_263 : memref<!tpu.dma_semaphore, #tpu.memory_space<semaphore_mem>>) src(%dma_wait3A_261 : memref<100000x128xf32, #tpu.memory_space<hbm>>) dst(%dma_wait3A_256 : memref<256x128xf32, #tpu.memory_space<vmem>>)
    %add3A_264 = arith.constant 1024 : i32
    %add3A_265 = arith.addi %mul3A_2, %add3A_264 : i32
    %dma_start3A_266 = arith.constant 1 : i32
    %dma_start3A_267 = arith.constant 1 : i32
    %dma_start3A_268 = arith.constant 0 : i32
    %dma_start3A_269 = arith.constant 0 : i32
    %dma_start3A_270 = tpu.memref_slice %arg6[%dma_start3A_266, %dma_start3A_268, %dma_start3A_269] : memref<3x256x128xf32, #tpu.memory_space<vmem>> -> memref<1x256x128xf32, #tpu.memory_space<vmem>>
    %dma_start3A_271 = tpu.memref_squeeze %dma_start3A_270 : memref<1x256x128xf32, #tpu.memory_space<vmem>> -> memref<256x128xf32, #tpu.memory_space<vmem>>
    %dma_start3A_272 = arith.constant 0 : i32
    %dma_start3A_273 = tpu.memref_slice %arg4[%add3A_265, %dma_start3A_272] : memref<65536x128xf32, #tpu.memory_space<hbm>> -> memref<256x128xf32, #tpu.memory_space<hbm>>
    %dma_start3A_274 = tpu.memref_slice %arg8[%dma_start3A_267] : memref<3x!tpu.dma_semaphore, #tpu.memory_space<semaphore_mem>> -> memref<1x!tpu.dma_semaphore, #tpu.memory_space<semaphore_mem>>
    %dma_start3A_275 = tpu.memref_squeeze %dma_start3A_274 : memref<1x!tpu.dma_semaphore, #tpu.memory_space<semaphore_mem>> -> memref<!tpu.dma_semaphore, #tpu.memory_space<semaphore_mem>>
    %dma_start3A_276 = arith.constant 0 : i32
    %dma_start3A_277 = tpu.memref_slice %arg4[%add3A_265, %dma_start3A_276] : memref<65536x128xf32, #tpu.memory_space<hbm>> -> memref<256x128xf32, #tpu.memory_space<hbm>>
    %dma_start3A_278 = arith.constant 0 : i32
    %dma_start3A_279 = arith.constant 0 : i32
    %dma_start3A_280 = tpu.memref_slice %arg6[%dma_start3A_266, %dma_start3A_278, %dma_start3A_279] : memref<3x256x128xf32, #tpu.memory_space<vmem>> -> memref<1x256x128xf32, #tpu.memory_space<vmem>>
    %dma_start3A_281 = tpu.memref_squeeze %dma_start3A_280 : memref<1x256x128xf32, #tpu.memory_space<vmem>> -> memref<256x128xf32, #tpu.memory_space<vmem>>
    tpu.enqueue_dma source(%dma_start3A_281 : memref<256x128xf32, #tpu.memory_space<vmem>>) target(%dma_start3A_277 : memref<256x128xf32, #tpu.memory_space<hbm>>) target_semaphore(%dma_start3A_275 : memref<!tpu.dma_semaphore, #tpu.memory_space<semaphore_mem>>)
    %dma_wait3A_282 = arith.constant 0 : i32
    %dma_wait3A_283 = arith.constant 0 : i32
    %dma_wait3A_284 = arith.constant 0 : i32
    %dma_wait3A_285 = arith.constant 0 : i32
    %dma_wait3A_286 = tpu.memref_slice %arg6[%dma_wait3A_282, %dma_wait3A_284, %dma_wait3A_285] : memref<3x256x128xf32, #tpu.memory_space<vmem>> -> memref<1x256x128xf32, #tpu.memory_space<vmem>>
    %dma_wait3A_287 = tpu.memref_squeeze %dma_wait3A_286 : memref<1x256x128xf32, #tpu.memory_space<vmem>> -> memref<256x128xf32, #tpu.memory_space<vmem>>
    %dma_wait3A_288 = arith.constant 0 : i32
    %dma_wait3A_289 = tpu.memref_slice %arg4[%add3A_205, %dma_wait3A_288] : memref<65536x128xf32, #tpu.memory_space<hbm>> -> memref<256x128xf32, #tpu.memory_space<hbm>>
    %dma_wait3A_290 = tpu.memref_slice %arg8[%dma_wait3A_283] : memref<3x!tpu.dma_semaphore, #tpu.memory_space<semaphore_mem>> -> memref<1x!tpu.dma_semaphore, #tpu.memory_space<semaphore_mem>>
    %dma_wait3A_291 = tpu.memref_squeeze %dma_wait3A_290 : memref<1x!tpu.dma_semaphore, #tpu.memory_space<semaphore_mem>> -> memref<!tpu.dma_semaphore, #tpu.memory_space<semaphore_mem>>
    %dma_wait3A_292 = arith.constant 0 : i32
    %dma_wait3A_293 = tpu.memref_slice %arg4[%add3A_205, %dma_wait3A_292] : memref<65536x128xf32, #tpu.memory_space<hbm>> -> memref<256x128xf32, #tpu.memory_space<hbm>>
    %dma_wait3A_294 = arith.constant 0 : i32
    %dma_wait3A_295 = arith.constant 0 : i32
    %dma_wait3A_296 = tpu.memref_slice %arg6[%dma_wait3A_282, %dma_wait3A_294, %dma_wait3A_295] : memref<3x256x128xf32, #tpu.memory_space<vmem>> -> memref<1x256x128xf32, #tpu.memory_space<vmem>>
    %dma_wait3A_297 = tpu.memref_squeeze %dma_wait3A_296 : memref<1x256x128xf32, #tpu.memory_space<vmem>> -> memref<256x128xf32, #tpu.memory_space<vmem>>
    tpu.wait_dma2 semaphore(%dma_wait3A_291 : memref<!tpu.dma_semaphore, #tpu.memory_space<semaphore_mem>>) src(%dma_wait3A_297 : memref<256x128xf32, #tpu.memory_space<vmem>>) dst(%dma_wait3A_293 : memref<256x128xf32, #tpu.memory_space<hbm>>)
    %dma_start3A_298 = arith.constant 0 : i32
    %dma_start3A_299 = arith.constant 0 : i32
    %dma_start3A_300 = arith.constant 0 : i32
    %dma_start3A_301 = arith.constant 0 : i32
    %dma_start3A_302 = tpu.memref_slice %arg6[%dma_start3A_298, %dma_start3A_300, %dma_start3A_301] : memref<3x256x128xf32, #tpu.memory_space<vmem>> -> memref<1x256x128xf32, #tpu.memory_space<vmem>>
    %dma_start3A_303 = tpu.memref_squeeze %dma_start3A_302 : memref<1x256x128xf32, #tpu.memory_space<vmem>> -> memref<256x128xf32, #tpu.memory_space<vmem>>
    %dma_start3A_304 = arith.constant 1536 : i32
    %dma_start3A_305 = tpu.memref_slice %arg5[%dma_start3A_304] : memref<2048xi32, #tpu.memory_space<vmem>> -> memref<256xi32, #tpu.memory_space<vmem>>
    %dma_start3A_306 = arith.constant 0 : i32
    %dma_start3A_307 = arith.constant 0 : i32
    %dma_start3A_308 = tpu.memref_slice %arg2[%dma_start3A_306, %dma_start3A_307] : memref<100000x128xf32, #tpu.memory_space<hbm>> -> memref<100000x128xf32, #tpu.memory_space<hbm>>
    %dma_start3A_309 = tpu.memref_slice %arg7[%dma_start3A_299] : memref<3x!tpu.dma_semaphore, #tpu.memory_space<semaphore_mem>> -> memref<1x!tpu.dma_semaphore, #tpu.memory_space<semaphore_mem>>
    %dma_start3A_310 = tpu.memref_squeeze %dma_start3A_309 : memref<1x!tpu.dma_semaphore, #tpu.memory_space<semaphore_mem>> -> memref<!tpu.dma_semaphore, #tpu.memory_space<semaphore_mem>>
    tpu.enqueue_indirect_dma source(%dma_start3A_308 : memref<100000x128xf32, #tpu.memory_space<hbm>>) target(%dma_start3A_303 : memref<256x128xf32, #tpu.memory_space<vmem>>) offsets(%dma_start3A_305 : memref<256xi32, #tpu.memory_space<vmem>>) semaphore(%dma_start3A_310 : memref<!tpu.dma_semaphore, #tpu.memory_space<semaphore_mem>>)
    %dma_wait3A_311 = arith.constant 2 : i32
    %dma_wait3A_312 = arith.constant 2 : i32
    %dma_wait3A_313 = arith.constant 0 : i32
    %dma_wait3A_314 = arith.constant 0 : i32
    %dma_wait3A_315 = tpu.memref_slice %arg6[%dma_wait3A_311, %dma_wait3A_313, %dma_wait3A_314] : memref<3x256x128xf32, #tpu.memory_space<vmem>> -> memref<1x256x128xf32, #tpu.memory_space<vmem>>
    %dma_wait3A_316 = tpu.memref_squeeze %dma_wait3A_315 : memref<1x256x128xf32, #tpu.memory_space<vmem>> -> memref<256x128xf32, #tpu.memory_space<vmem>>
    %dma_wait3A_317 = arith.constant 1280 : i32
    %dma_wait3A_318 = tpu.memref_slice %arg5[%dma_wait3A_317] : memref<2048xi32, #tpu.memory_space<vmem>> -> memref<256xi32, #tpu.memory_space<vmem>>
    %dma_wait3A_319 = arith.constant 0 : i32
    %dma_wait3A_320 = arith.constant 0 : i32
    %dma_wait3A_321 = tpu.memref_slice %arg2[%dma_wait3A_319, %dma_wait3A_320] : memref<100000x128xf32, #tpu.memory_space<hbm>> -> memref<100000x128xf32, #tpu.memory_space<hbm>>
    %dma_wait3A_322 = tpu.memref_slice %arg7[%dma_wait3A_312] : memref<3x!tpu.dma_semaphore, #tpu.memory_space<semaphore_mem>> -> memref<1x!tpu.dma_semaphore, #tpu.memory_space<semaphore_mem>>
    %dma_wait3A_323 = tpu.memref_squeeze %dma_wait3A_322 : memref<1x!tpu.dma_semaphore, #tpu.memory_space<semaphore_mem>> -> memref<!tpu.dma_semaphore, #tpu.memory_space<semaphore_mem>>
    tpu.wait_indirect_dma semaphore(%dma_wait3A_323 : memref<!tpu.dma_semaphore, #tpu.memory_space<semaphore_mem>>) src(%dma_wait3A_321 : memref<100000x128xf32, #tpu.memory_space<hbm>>) dst(%dma_wait3A_316 : memref<256x128xf32, #tpu.memory_space<vmem>>)
    %add3A_324 = arith.constant 1280 : i32
    %add3A_325 = arith.addi %mul3A_2, %add3A_324 : i32
    %dma_start3A_326 = arith.constant 2 : i32
    %dma_start3A_327 = arith.constant 2 : i32
    %dma_start3A_328 = arith.constant 0 : i32
    %dma_start3A_329 = arith.constant 0 : i32
    %dma_start3A_330 = tpu.memref_slice %arg6[%dma_start3A_326, %dma_start3A_328, %dma_start3A_329] : memref<3x256x128xf32, #tpu.memory_space<vmem>> -> memref<1x256x128xf32, #tpu.memory_space<vmem>>
    %dma_start3A_331 = tpu.memref_squeeze %dma_start3A_330 : memref<1x256x128xf32, #tpu.memory_space<vmem>> -> memref<256x128xf32, #tpu.memory_space<vmem>>
    %dma_start3A_332 = arith.constant 0 : i32
    %dma_start3A_333 = tpu.memref_slice %arg4[%add3A_325, %dma_start3A_332] : memref<65536x128xf32, #tpu.memory_space<hbm>> -> memref<256x128xf32, #tpu.memory_space<hbm>>
    %dma_start3A_334 = tpu.memref_slice %arg8[%dma_start3A_327] : memref<3x!tpu.dma_semaphore, #tpu.memory_space<semaphore_mem>> -> memref<1x!tpu.dma_semaphore, #tpu.memory_space<semaphore_mem>>
    %dma_start3A_335 = tpu.memref_squeeze %dma_start3A_334 : memref<1x!tpu.dma_semaphore, #tpu.memory_space<semaphore_mem>> -> memref<!tpu.dma_semaphore, #tpu.memory_space<semaphore_mem>>
    %dma_start3A_336 = arith.constant 0 : i32
    %dma_start3A_337 = tpu.memref_slice %arg4[%add3A_325, %dma_start3A_336] : memref<65536x128xf32, #tpu.memory_space<hbm>> -> memref<256x128xf32, #tpu.memory_space<hbm>>
    %dma_start3A_338 = arith.constant 0 : i32
    %dma_start3A_339 = arith.constant 0 : i32
    %dma_start3A_340 = tpu.memref_slice %arg6[%dma_start3A_326, %dma_start3A_338, %dma_start3A_339] : memref<3x256x128xf32, #tpu.memory_space<vmem>> -> memref<1x256x128xf32, #tpu.memory_space<vmem>>
    %dma_start3A_341 = tpu.memref_squeeze %dma_start3A_340 : memref<1x256x128xf32, #tpu.memory_space<vmem>> -> memref<256x128xf32, #tpu.memory_space<vmem>>
    tpu.enqueue_dma source(%dma_start3A_341 : memref<256x128xf32, #tpu.memory_space<vmem>>) target(%dma_start3A_337 : memref<256x128xf32, #tpu.memory_space<hbm>>) target_semaphore(%dma_start3A_335 : memref<!tpu.dma_semaphore, #tpu.memory_space<semaphore_mem>>)
    %dma_wait3A_342 = arith.constant 1 : i32
    %dma_wait3A_343 = arith.constant 1 : i32
    %dma_wait3A_344 = arith.constant 0 : i32
    %dma_wait3A_345 = arith.constant 0 : i32
    %dma_wait3A_346 = tpu.memref_slice %arg6[%dma_wait3A_342, %dma_wait3A_344, %dma_wait3A_345] : memref<3x256x128xf32, #tpu.memory_space<vmem>> -> memref<1x256x128xf32, #tpu.memory_space<vmem>>
    %dma_wait3A_347 = tpu.memref_squeeze %dma_wait3A_346 : memref<1x256x128xf32, #tpu.memory_space<vmem>> -> memref<256x128xf32, #tpu.memory_space<vmem>>
    %dma_wait3A_348 = arith.constant 0 : i32
    %dma_wait3A_349 = tpu.memref_slice %arg4[%add3A_265, %dma_wait3A_348] : memref<65536x128xf32, #tpu.memory_space<hbm>> -> memref<256x128xf32, #tpu.memory_space<hbm>>
    %dma_wait3A_350 = tpu.memref_slice %arg8[%dma_wait3A_343] : memref<3x!tpu.dma_semaphore, #tpu.memory_space<semaphore_mem>> -> memref<1x!tpu.dma_semaphore, #tpu.memory_space<semaphore_mem>>
    %dma_wait3A_351 = tpu.memref_squeeze %dma_wait3A_350 : memref<1x!tpu.dma_semaphore, #tpu.memory_space<semaphore_mem>> -> memref<!tpu.dma_semaphore, #tpu.memory_space<semaphore_mem>>
    %dma_wait3A_352 = arith.constant 0 : i32
    %dma_wait3A_353 = tpu.memref_slice %arg4[%add3A_265, %dma_wait3A_352] : memref<65536x128xf32, #tpu.memory_space<hbm>> -> memref<256x128xf32, #tpu.memory_space<hbm>>
    %dma_wait3A_354 = arith.constant 0 : i32
    %dma_wait3A_355 = arith.constant 0 : i32
    %dma_wait3A_356 = tpu.memref_slice %arg6[%dma_wait3A_342, %dma_wait3A_354, %dma_wait3A_355] : memref<3x256x128xf32, #tpu.memory_space<vmem>> -> memref<1x256x128xf32, #tpu.memory_space<vmem>>
    %dma_wait3A_357 = tpu.memref_squeeze %dma_wait3A_356 : memref<1x256x128xf32, #tpu.memory_space<vmem>> -> memref<256x128xf32, #tpu.memory_space<vmem>>
    tpu.wait_dma2 semaphore(%dma_wait3A_351 : memref<!tpu.dma_semaphore, #tpu.memory_space<semaphore_mem>>) src(%dma_wait3A_357 : memref<256x128xf32, #tpu.memory_space<vmem>>) dst(%dma_wait3A_353 : memref<256x128xf32, #tpu.memory_space<hbm>>)
    %dma_start3A_358 = arith.constant 1 : i32
    %dma_start3A_359 = arith.constant 1 : i32
    %dma_start3A_360 = arith.constant 0 : i32
    %dma_start3A_361 = arith.constant 0 : i32
    %dma_start3A_362 = tpu.memref_slice %arg6[%dma_start3A_358, %dma_start3A_360, %dma_start3A_361] : memref<3x256x128xf32, #tpu.memory_space<vmem>> -> memref<1x256x128xf32, #tpu.memory_space<vmem>>
    %dma_start3A_363 = tpu.memref_squeeze %dma_start3A_362 : memref<1x256x128xf32, #tpu.memory_space<vmem>> -> memref<256x128xf32, #tpu.memory_space<vmem>>
    %dma_start3A_364 = arith.constant 1792 : i32
    %dma_start3A_365 = tpu.memref_slice %arg5[%dma_start3A_364] : memref<2048xi32, #tpu.memory_space<vmem>> -> memref<256xi32, #tpu.memory_space<vmem>>
    %dma_start3A_366 = arith.constant 0 : i32
    %dma_start3A_367 = arith.constant 0 : i32
    %dma_start3A_368 = tpu.memref_slice %arg2[%dma_start3A_366, %dma_start3A_367] : memref<100000x128xf32, #tpu.memory_space<hbm>> -> memref<100000x128xf32, #tpu.memory_space<hbm>>
    %dma_start3A_369 = tpu.memref_slice %arg7[%dma_start3A_359] : memref<3x!tpu.dma_semaphore, #tpu.memory_space<semaphore_mem>> -> memref<1x!tpu.dma_semaphore, #tpu.memory_space<semaphore_mem>>
    %dma_start3A_370 = tpu.memref_squeeze %dma_start3A_369 : memref<1x!tpu.dma_semaphore, #tpu.memory_space<semaphore_mem>> -> memref<!tpu.dma_semaphore, #tpu.memory_space<semaphore_mem>>
    tpu.enqueue_indirect_dma source(%dma_start3A_368 : memref<100000x128xf32, #tpu.memory_space<hbm>>) target(%dma_start3A_363 : memref<256x128xf32, #tpu.memory_space<vmem>>) offsets(%dma_start3A_365 : memref<256xi32, #tpu.memory_space<vmem>>) semaphore(%dma_start3A_370 : memref<!tpu.dma_semaphore, #tpu.memory_space<semaphore_mem>>)
    %dma_wait3A_371 = arith.constant 0 : i32
    %dma_wait3A_372 = arith.constant 0 : i32
    %dma_wait3A_373 = arith.constant 0 : i32
    %dma_wait3A_374 = arith.constant 0 : i32
    %dma_wait3A_375 = tpu.memref_slice %arg6[%dma_wait3A_371, %dma_wait3A_373, %dma_wait3A_374] : memref<3x256x128xf32, #tpu.memory_space<vmem>> -> memref<1x256x128xf32, #tpu.memory_space<vmem>>
    %dma_wait3A_376 = tpu.memref_squeeze %dma_wait3A_375 : memref<1x256x128xf32, #tpu.memory_space<vmem>> -> memref<256x128xf32, #tpu.memory_space<vmem>>
    %dma_wait3A_377 = arith.constant 1536 : i32
    %dma_wait3A_378 = tpu.memref_slice %arg5[%dma_wait3A_377] : memref<2048xi32, #tpu.memory_space<vmem>> -> memref<256xi32, #tpu.memory_space<vmem>>
    %dma_wait3A_379 = arith.constant 0 : i32
    %dma_wait3A_380 = arith.constant 0 : i32
    %dma_wait3A_381 = tpu.memref_slice %arg2[%dma_wait3A_379, %dma_wait3A_380] : memref<100000x128xf32, #tpu.memory_space<hbm>> -> memref<100000x128xf32, #tpu.memory_space<hbm>>
    %dma_wait3A_382 = tpu.memref_slice %arg7[%dma_wait3A_372] : memref<3x!tpu.dma_semaphore, #tpu.memory_space<semaphore_mem>> -> memref<1x!tpu.dma_semaphore, #tpu.memory_space<semaphore_mem>>
    %dma_wait3A_383 = tpu.memref_squeeze %dma_wait3A_382 : memref<1x!tpu.dma_semaphore, #tpu.memory_space<semaphore_mem>> -> memref<!tpu.dma_semaphore, #tpu.memory_space<semaphore_mem>>
    tpu.wait_indirect_dma semaphore(%dma_wait3A_383 : memref<!tpu.dma_semaphore, #tpu.memory_space<semaphore_mem>>) src(%dma_wait3A_381 : memref<100000x128xf32, #tpu.memory_space<hbm>>) dst(%dma_wait3A_376 : memref<256x128xf32, #tpu.memory_space<vmem>>)
    %add3A_384 = arith.constant 1536 : i32
    %add3A_385 = arith.addi %mul3A_2, %add3A_384 : i32
    %dma_start3A_386 = arith.constant 0 : i32
    %dma_start3A_387 = arith.constant 0 : i32
    %dma_start3A_388 = arith.constant 0 : i32
    %dma_start3A_389 = arith.constant 0 : i32
    %dma_start3A_390 = tpu.memref_slice %arg6[%dma_start3A_386, %dma_start3A_388, %dma_start3A_389] : memref<3x256x128xf32, #tpu.memory_space<vmem>> -> memref<1x256x128xf32, #tpu.memory_space<vmem>>
    %dma_start3A_391 = tpu.memref_squeeze %dma_start3A_390 : memref<1x256x128xf32, #tpu.memory_space<vmem>> -> memref<256x128xf32, #tpu.memory_space<vmem>>
    %dma_start3A_392 = arith.constant 0 : i32
    %dma_start3A_393 = tpu.memref_slice %arg4[%add3A_385, %dma_start3A_392] : memref<65536x128xf32, #tpu.memory_space<hbm>> -> memref<256x128xf32, #tpu.memory_space<hbm>>
    %dma_start3A_394 = tpu.memref_slice %arg8[%dma_start3A_387] : memref<3x!tpu.dma_semaphore, #tpu.memory_space<semaphore_mem>> -> memref<1x!tpu.dma_semaphore, #tpu.memory_space<semaphore_mem>>
    %dma_start3A_395 = tpu.memref_squeeze %dma_start3A_394 : memref<1x!tpu.dma_semaphore, #tpu.memory_space<semaphore_mem>> -> memref<!tpu.dma_semaphore, #tpu.memory_space<semaphore_mem>>
    %dma_start3A_396 = arith.constant 0 : i32
    %dma_start3A_397 = tpu.memref_slice %arg4[%add3A_385, %dma_start3A_396] : memref<65536x128xf32, #tpu.memory_space<hbm>> -> memref<256x128xf32, #tpu.memory_space<hbm>>
    %dma_start3A_398 = arith.constant 0 : i32
    %dma_start3A_399 = arith.constant 0 : i32
    %dma_start3A_400 = tpu.memref_slice %arg6[%dma_start3A_386, %dma_start3A_398, %dma_start3A_399] : memref<3x256x128xf32, #tpu.memory_space<vmem>> -> memref<1x256x128xf32, #tpu.memory_space<vmem>>
    %dma_start3A_401 = tpu.memref_squeeze %dma_start3A_400 : memref<1x256x128xf32, #tpu.memory_space<vmem>> -> memref<256x128xf32, #tpu.memory_space<vmem>>
    tpu.enqueue_dma source(%dma_start3A_401 : memref<256x128xf32, #tpu.memory_space<vmem>>) target(%dma_start3A_397 : memref<256x128xf32, #tpu.memory_space<hbm>>) target_semaphore(%dma_start3A_395 : memref<!tpu.dma_semaphore, #tpu.memory_space<semaphore_mem>>)
    %dma_wait3A_402 = arith.constant 1 : i32
    %dma_wait3A_403 = arith.constant 1 : i32
    %dma_wait3A_404 = arith.constant 0 : i32
    %dma_wait3A_405 = arith.constant 0 : i32
    %dma_wait3A_406 = tpu.memref_slice %arg6[%dma_wait3A_402, %dma_wait3A_404, %dma_wait3A_405] : memref<3x256x128xf32, #tpu.memory_space<vmem>> -> memref<1x256x128xf32, #tpu.memory_space<vmem>>
    %dma_wait3A_407 = tpu.memref_squeeze %dma_wait3A_406 : memref<1x256x128xf32, #tpu.memory_space<vmem>> -> memref<256x128xf32, #tpu.memory_space<vmem>>
    %dma_wait3A_408 = arith.constant 1792 : i32
    %dma_wait3A_409 = tpu.memref_slice %arg5[%dma_wait3A_408] : memref<2048xi32, #tpu.memory_space<vmem>> -> memref<256xi32, #tpu.memory_space<vmem>>
    %dma_wait3A_410 = arith.constant 0 : i32
    %dma_wait3A_411 = arith.constant 0 : i32
    %dma_wait3A_412 = tpu.memref_slice %arg2[%dma_wait3A_410, %dma_wait3A_411] : memref<100000x128xf32, #tpu.memory_space<hbm>> -> memref<100000x128xf32, #tpu.memory_space<hbm>>
    %dma_wait3A_413 = tpu.memref_slice %arg7[%dma_wait3A_403] : memref<3x!tpu.dma_semaphore, #tpu.memory_space<semaphore_mem>> -> memref<1x!tpu.dma_semaphore, #tpu.memory_space<semaphore_mem>>
    %dma_wait3A_414 = tpu.memref_squeeze %dma_wait3A_413 : memref<1x!tpu.dma_semaphore, #tpu.memory_space<semaphore_mem>> -> memref<!tpu.dma_semaphore, #tpu.memory_space<semaphore_mem>>
    tpu.wait_indirect_dma semaphore(%dma_wait3A_414 : memref<!tpu.dma_semaphore, #tpu.memory_space<semaphore_mem>>) src(%dma_wait3A_412 : memref<100000x128xf32, #tpu.memory_space<hbm>>) dst(%dma_wait3A_407 : memref<256x128xf32, #tpu.memory_space<vmem>>)
    %add3A_415 = arith.constant 1792 : i32
    %add3A_416 = arith.addi %mul3A_2, %add3A_415 : i32
    %dma_start3A_417 = arith.constant 1 : i32
    %dma_start3A_418 = arith.constant 1 : i32
    %dma_start3A_419 = arith.constant 0 : i32
    %dma_start3A_420 = arith.constant 0 : i32
    %dma_start3A_421 = tpu.memref_slice %arg6[%dma_start3A_417, %dma_start3A_419, %dma_start3A_420] : memref<3x256x128xf32, #tpu.memory_space<vmem>> -> memref<1x256x128xf32, #tpu.memory_space<vmem>>
    %dma_start3A_422 = tpu.memref_squeeze %dma_start3A_421 : memref<1x256x128xf32, #tpu.memory_space<vmem>> -> memref<256x128xf32, #tpu.memory_space<vmem>>
    %dma_start3A_423 = arith.constant 0 : i32
    %dma_start3A_424 = tpu.memref_slice %arg4[%add3A_416, %dma_start3A_423] : memref<65536x128xf32, #tpu.memory_space<hbm>> -> memref<256x128xf32, #tpu.memory_space<hbm>>
    %dma_start3A_425 = tpu.memref_slice %arg8[%dma_start3A_418] : memref<3x!tpu.dma_semaphore, #tpu.memory_space<semaphore_mem>> -> memref<1x!tpu.dma_semaphore, #tpu.memory_space<semaphore_mem>>
    %dma_start3A_426 = tpu.memref_squeeze %dma_start3A_425 : memref<1x!tpu.dma_semaphore, #tpu.memory_space<semaphore_mem>> -> memref<!tpu.dma_semaphore, #tpu.memory_space<semaphore_mem>>
    %dma_start3A_427 = arith.constant 0 : i32
    %dma_start3A_428 = tpu.memref_slice %arg4[%add3A_416, %dma_start3A_427] : memref<65536x128xf32, #tpu.memory_space<hbm>> -> memref<256x128xf32, #tpu.memory_space<hbm>>
    %dma_start3A_429 = arith.constant 0 : i32
    %dma_start3A_430 = arith.constant 0 : i32
    %dma_start3A_431 = tpu.memref_slice %arg6[%dma_start3A_417, %dma_start3A_429, %dma_start3A_430] : memref<3x256x128xf32, #tpu.memory_space<vmem>> -> memref<1x256x128xf32, #tpu.memory_space<vmem>>
    %dma_start3A_432 = tpu.memref_squeeze %dma_start3A_431 : memref<1x256x128xf32, #tpu.memory_space<vmem>> -> memref<256x128xf32, #tpu.memory_space<vmem>>
    tpu.enqueue_dma source(%dma_start3A_432 : memref<256x128xf32, #tpu.memory_space<vmem>>) target(%dma_start3A_428 : memref<256x128xf32, #tpu.memory_space<hbm>>) target_semaphore(%dma_start3A_426 : memref<!tpu.dma_semaphore, #tpu.memory_space<semaphore_mem>>)
    %dma_wait3A_433 = arith.constant 2 : i32
    %dma_wait3A_434 = arith.constant 2 : i32
    %dma_wait3A_435 = arith.constant 0 : i32
    %dma_wait3A_436 = arith.constant 0 : i32
    %dma_wait3A_437 = tpu.memref_slice %arg6[%dma_wait3A_433, %dma_wait3A_435, %dma_wait3A_436] : memref<3x256x128xf32, #tpu.memory_space<vmem>> -> memref<1x256x128xf32, #tpu.memory_space<vmem>>
    %dma_wait3A_438 = tpu.memref_squeeze %dma_wait3A_437 : memref<1x256x128xf32, #tpu.memory_space<vmem>> -> memref<256x128xf32, #tpu.memory_space<vmem>>
    %dma_wait3A_439 = arith.constant 0 : i32
    %dma_wait3A_440 = tpu.memref_slice %arg4[%add3A_325, %dma_wait3A_439] : memref<65536x128xf32, #tpu.memory_space<hbm>> -> memref<256x128xf32, #tpu.memory_space<hbm>>
    %dma_wait3A_441 = tpu.memref_slice %arg8[%dma_wait3A_434] : memref<3x!tpu.dma_semaphore, #tpu.memory_space<semaphore_mem>> -> memref<1x!tpu.dma_semaphore, #tpu.memory_space<semaphore_mem>>
    %dma_wait3A_442 = tpu.memref_squeeze %dma_wait3A_441 : memref<1x!tpu.dma_semaphore, #tpu.memory_space<semaphore_mem>> -> memref<!tpu.dma_semaphore, #tpu.memory_space<semaphore_mem>>
    %dma_wait3A_443 = arith.constant 0 : i32
    %dma_wait3A_444 = tpu.memref_slice %arg4[%add3A_325, %dma_wait3A_443] : memref<65536x128xf32, #tpu.memory_space<hbm>> -> memref<256x128xf32, #tpu.memory_space<hbm>>
    %dma_wait3A_445 = arith.constant 0 : i32
    %dma_wait3A_446 = arith.constant 0 : i32
    %dma_wait3A_447 = tpu.memref_slice %arg6[%dma_wait3A_433, %dma_wait3A_445, %dma_wait3A_446] : memref<3x256x128xf32, #tpu.memory_space<vmem>> -> memref<1x256x128xf32, #tpu.memory_space<vmem>>
    %dma_wait3A_448 = tpu.memref_squeeze %dma_wait3A_447 : memref<1x256x128xf32, #tpu.memory_space<vmem>> -> memref<256x128xf32, #tpu.memory_space<vmem>>
    tpu.wait_dma2 semaphore(%dma_wait3A_442 : memref<!tpu.dma_semaphore, #tpu.memory_space<semaphore_mem>>) src(%dma_wait3A_448 : memref<256x128xf32, #tpu.memory_space<vmem>>) dst(%dma_wait3A_444 : memref<256x128xf32, #tpu.memory_space<hbm>>)
    %dma_wait3A_449 = arith.constant 0 : i32
    %dma_wait3A_450 = arith.constant 0 : i32
    %dma_wait3A_451 = arith.constant 0 : i32
    %dma_wait3A_452 = arith.constant 0 : i32
    %dma_wait3A_453 = tpu.memref_slice %arg6[%dma_wait3A_449, %dma_wait3A_451, %dma_wait3A_452] : memref<3x256x128xf32, #tpu.memory_space<vmem>> -> memref<1x256x128xf32, #tpu.memory_space<vmem>>
    %dma_wait3A_454 = tpu.memref_squeeze %dma_wait3A_453 : memref<1x256x128xf32, #tpu.memory_space<vmem>> -> memref<256x128xf32, #tpu.memory_space<vmem>>
    %dma_wait3A_455 = arith.constant 0 : i32
    %dma_wait3A_456 = tpu.memref_slice %arg4[%add3A_385, %dma_wait3A_455] : memref<65536x128xf32, #tpu.memory_space<hbm>> -> memref<256x128xf32, #tpu.memory_space<hbm>>
    %dma_wait3A_457 = tpu.memref_slice %arg8[%dma_wait3A_450] : memref<3x!tpu.dma_semaphore, #tpu.memory_space<semaphore_mem>> -> memref<1x!tpu.dma_semaphore, #tpu.memory_space<semaphore_mem>>
    %dma_wait3A_458 = tpu.memref_squeeze %dma_wait3A_457 : memref<1x!tpu.dma_semaphore, #tpu.memory_space<semaphore_mem>> -> memref<!tpu.dma_semaphore, #tpu.memory_space<semaphore_mem>>
    %dma_wait3A_459 = arith.constant 0 : i32
    %dma_wait3A_460 = tpu.memref_slice %arg4[%add3A_385, %dma_wait3A_459] : memref<65536x128xf32, #tpu.memory_space<hbm>> -> memref<256x128xf32, #tpu.memory_space<hbm>>
    %dma_wait3A_461 = arith.constant 0 : i32
    %dma_wait3A_462 = arith.constant 0 : i32
    %dma_wait3A_463 = tpu.memref_slice %arg6[%dma_wait3A_449, %dma_wait3A_461, %dma_wait3A_462] : memref<3x256x128xf32, #tpu.memory_space<vmem>> -> memref<1x256x128xf32, #tpu.memory_space<vmem>>
    %dma_wait3A_464 = tpu.memref_squeeze %dma_wait3A_463 : memref<1x256x128xf32, #tpu.memory_space<vmem>> -> memref<256x128xf32, #tpu.memory_space<vmem>>
    tpu.wait_dma2 semaphore(%dma_wait3A_458 : memref<!tpu.dma_semaphore, #tpu.memory_space<semaphore_mem>>) src(%dma_wait3A_464 : memref<256x128xf32, #tpu.memory_space<vmem>>) dst(%dma_wait3A_460 : memref<256x128xf32, #tpu.memory_space<hbm>>)
    %dma_wait3A_465 = arith.constant 1 : i32
    %dma_wait3A_466 = arith.constant 1 : i32
    %dma_wait3A_467 = arith.constant 0 : i32
    %dma_wait3A_468 = arith.constant 0 : i32
    %dma_wait3A_469 = tpu.memref_slice %arg6[%dma_wait3A_465, %dma_wait3A_467, %dma_wait3A_468] : memref<3x256x128xf32, #tpu.memory_space<vmem>> -> memref<1x256x128xf32, #tpu.memory_space<vmem>>
    %dma_wait3A_470 = tpu.memref_squeeze %dma_wait3A_469 : memref<1x256x128xf32, #tpu.memory_space<vmem>> -> memref<256x128xf32, #tpu.memory_space<vmem>>
    %dma_wait3A_471 = arith.constant 0 : i32
    %dma_wait3A_472 = tpu.memref_slice %arg4[%add3A_416, %dma_wait3A_471] : memref<65536x128xf32, #tpu.memory_space<hbm>> -> memref<256x128xf32, #tpu.memory_space<hbm>>
    %dma_wait3A_473 = tpu.memref_slice %arg8[%dma_wait3A_466] : memref<3x!tpu.dma_semaphore, #tpu.memory_space<semaphore_mem>> -> memref<1x!tpu.dma_semaphore, #tpu.memory_space<semaphore_mem>>
    %dma_wait3A_474 = tpu.memref_squeeze %dma_wait3A_473 : memref<1x!tpu.dma_semaphore, #tpu.memory_space<semaphore_mem>> -> memref<!tpu.dma_semaphore, #tpu.memory_space<semaphore_mem>>
    %dma_wait3A_475 = arith.constant 0 : i32
    %dma_wait3A_476 = tpu.memref_slice %arg4[%add3A_416, %dma_wait3A_475] : memref<65536x128xf32, #tpu.memory_space<hbm>> -> memref<256x128xf32, #tpu.memory_space<hbm>>
    %dma_wait3A_477 = arith.constant 0 : i32
    %dma_wait3A_478 = arith.constant 0 : i32
    %dma_wait3A_479 = tpu.memref_slice %arg6[%dma_wait3A_465, %dma_wait3A_477, %dma_wait3A_478] : memref<3x256x128xf32, #tpu.memory_space<vmem>> -> memref<1x256x128xf32, #tpu.memory_space<vmem>>
    %dma_wait3A_480 = tpu.memref_squeeze %dma_wait3A_479 : memref<1x256x128xf32, #tpu.memory_space<vmem>> -> memref<256x128xf32, #tpu.memory_space<vmem>>
    tpu.wait_dma2 semaphore(%dma_wait3A_474 : memref<!tpu.dma_semaphore, #tpu.memory_space<semaphore_mem>>) src(%dma_wait3A_480 : memref<256x128xf32, #tpu.memory_space<vmem>>) dst(%dma_wait3A_476 : memref<256x128xf32, #tpu.memory_space<hbm>>)
    return
  }
}

#map = affine_map<(d0, d1) -> (0, 0)>
#map1 = affine_map<(d0, d1) -> (0)>
module attributes {stable_mosaic.version = 14 : i64} {
  func.func @sc_gather(%arg0: i32, %arg1: i32, %arg2: memref<100000x128xf32, #tpu.memory_space<hbm>>, %arg3: memref<65536xi32, #tpu.memory_space<hbm>>, %arg4: memref<65536x128xf32, #tpu.memory_space<hbm>>, %arg5: memref<2048xi32, #tpu.memory_space<vmem>>, %arg6: memref<3x256x128xf32, #tpu.memory_space<vmem>>, %arg7: memref<3x!tpu.dma_semaphore, #tpu.memory_space<semaphore_mem>>, %arg8: memref<3x!tpu.dma_semaphore, #tpu.memory_space<semaphore_mem>>) attributes {dimension_semantics = [#tpu.dimension_semantics<core_parallel>, #tpu.dimension_semantics<subcore_parallel>], iteration_bounds = array<i64: 2, 16>, scalar_prefetch = 0 : i64, scratch_operands = 4 : i64, tpu.core_type = #tpu.core_type<sc_vector_subcore>, window_params = [{transform_indices = #map}, {transform_indices = #map1}, {transform_indices = #map}]} {
    %mul3A = arith.constant 2 : i32
    %mul3A_0 = arith.muli %arg1, %mul3A : i32
    %add3A = arith.addi %mul3A_0, %arg0 : i32
    %mul3A_1 = arith.constant 2048 : i32
    %mul3A_2 = arith.muli %add3A, %mul3A_1 : i32
    "tpu.region"() ({
      %run_scoped3A = tpu.sem_alloc : memref<!tpu.dma_semaphore, #tpu.memory_space<semaphore_mem>>
      %dma_start3A_481 = tpu.memref_slice %arg3[%mul3A_2] : memref<65536xi32, #tpu.memory_space<hbm>> -> memref<2048xi32, #tpu.memory_space<hbm>>
      %dma_start3A_482 = tpu.memref_slice %arg3[%mul3A_2] : memref<65536xi32, #tpu.memory_space<hbm>> -> memref<2048xi32, #tpu.memory_space<hbm>>
      tpu.enqueue_dma source(%dma_start3A_482 : memref<2048xi32, #tpu.memory_space<hbm>>) target(%arg5 : memref<2048xi32, #tpu.memory_space<vmem>>) target_semaphore(%run_scoped3A : memref<!tpu.dma_semaphore, #tpu.memory_space<semaphore_mem>>)
      %dma_wait3A_483 = tpu.memref_slice %arg3[%mul3A_2] : memref<65536xi32, #tpu.memory_space<hbm>> -> memref<2048xi32, #tpu.memory_space<hbm>>
      %dma_wait3A_484 = tpu.memref_slice %arg3[%mul3A_2] : memref<65536xi32, #tpu.memory_space<hbm>> -> memref<2048xi32, #tpu.memory_space<hbm>>
      tpu.wait_dma2 semaphore(%run_scoped3A : memref<!tpu.dma_semaphore, #tpu.memory_space<semaphore_mem>>) src(%dma_wait3A_484 : memref<2048xi32, #tpu.memory_space<hbm>>) dst(%arg5 : memref<2048xi32, #tpu.memory_space<vmem>>)
      tpu.yield
    }) : () -> ()
    %dma_start3A = arith.constant 0 : i32
    %dma_start3A_3 = arith.constant 0 : i32
    %dma_start3A_4 = arith.constant 0 : i32
    %dma_start3A_5 = arith.constant 0 : i32
    %dma_start3A_6 = tpu.memref_slice %arg6[%dma_start3A, %dma_start3A_4, %dma_start3A_5] : memref<3x256x128xf32, #tpu.memory_space<vmem>> -> memref<1x256x128xf32, #tpu.memory_space<vmem>>
    %dma_start3A_7 = tpu.memref_squeeze %dma_start3A_6 : memref<1x256x128xf32, #tpu.memory_space<vmem>> -> memref<256x128xf32, #tpu.memory_space<vmem>>
    %dma_start3A_8 = arith.constant 0 : i32
    %dma_start3A_9 = tpu.memref_slice %arg5[%dma_start3A_8] : memref<2048xi32, #tpu.memory_space<vmem>> -> memref<256xi32, #tpu.memory_space<vmem>>
    %dma_start3A_10 = arith.constant 0 : i32
    %dma_start3A_11 = arith.constant 0 : i32
    %dma_start3A_12 = tpu.memref_slice %arg2[%dma_start3A_10, %dma_start3A_11] : memref<100000x128xf32, #tpu.memory_space<hbm>> -> memref<100000x128xf32, #tpu.memory_space<hbm>>
    %dma_start3A_13 = tpu.memref_slice %arg7[%dma_start3A_3] : memref<3x!tpu.dma_semaphore, #tpu.memory_space<semaphore_mem>> -> memref<1x!tpu.dma_semaphore, #tpu.memory_space<semaphore_mem>>
    %dma_start3A_14 = tpu.memref_squeeze %dma_start3A_13 : memref<1x!tpu.dma_semaphore, #tpu.memory_space<semaphore_mem>> -> memref<!tpu.dma_semaphore, #tpu.memory_space<semaphore_mem>>
    tpu.enqueue_indirect_dma source(%dma_start3A_12 : memref<100000x128xf32, #tpu.memory_space<hbm>>) target(%dma_start3A_7 : memref<256x128xf32, #tpu.memory_space<vmem>>) offsets(%dma_start3A_9 : memref<256xi32, #tpu.memory_space<vmem>>) semaphore(%dma_start3A_14 : memref<!tpu.dma_semaphore, #tpu.memory_space<semaphore_mem>>)
    %dma_start3A_15 = arith.constant 1 : i32
    %dma_start3A_16 = arith.constant 1 : i32
    %dma_start3A_17 = arith.constant 0 : i32
    %dma_start3A_18 = arith.constant 0 : i32
    %dma_start3A_19 = tpu.memref_slice %arg6[%dma_start3A_15, %dma_start3A_17, %dma_start3A_18] : memref<3x256x128xf32, #tpu.memory_space<vmem>> -> memref<1x256x128xf32, #tpu.memory_space<vmem>>
    %dma_start3A_20 = tpu.memref_squeeze %dma_start3A_19 : memref<1x256x128xf32, #tpu.memory_space<vmem>> -> memref<256x128xf32, #tpu.memory_space<vmem>>
    %dma_start3A_21 = arith.constant 256 : i32
    %dma_start3A_22 = tpu.memref_slice %arg5[%dma_start3A_21] : memref<2048xi32, #tpu.memory_space<vmem>> -> memref<256xi32, #tpu.memory_space<vmem>>
    %dma_start3A_23 = arith.constant 0 : i32
    %dma_start3A_24 = arith.constant 0 : i32
    %dma_start3A_25 = tpu.memref_slice %arg2[%dma_start3A_23, %dma_start3A_24] : memref<100000x128xf32, #tpu.memory_space<hbm>> -> memref<100000x128xf32, #tpu.memory_space<hbm>>
    %dma_start3A_26 = tpu.memref_slice %arg7[%dma_start3A_16] : memref<3x!tpu.dma_semaphore, #tpu.memory_space<semaphore_mem>> -> memref<1x!tpu.dma_semaphore, #tpu.memory_space<semaphore_mem>>
    %dma_start3A_27 = tpu.memref_squeeze %dma_start3A_26 : memref<1x!tpu.dma_semaphore, #tpu.memory_space<semaphore_mem>> -> memref<!tpu.dma_semaphore, #tpu.memory_space<semaphore_mem>>
    tpu.enqueue_indirect_dma source(%dma_start3A_25 : memref<100000x128xf32, #tpu.memory_space<hbm>>) target(%dma_start3A_20 : memref<256x128xf32, #tpu.memory_space<vmem>>) offsets(%dma_start3A_22 : memref<256xi32, #tpu.memory_space<vmem>>) semaphore(%dma_start3A_27 : memref<!tpu.dma_semaphore, #tpu.memory_space<semaphore_mem>>)
    %dma_wait3A = arith.constant 0 : i32
    %dma_wait3A_28 = arith.constant 0 : i32
    %dma_wait3A_29 = arith.constant 0 : i32
    %dma_wait3A_30 = arith.constant 0 : i32
    %dma_wait3A_31 = tpu.memref_slice %arg6[%dma_wait3A, %dma_wait3A_29, %dma_wait3A_30] : memref<3x256x128xf32, #tpu.memory_space<vmem>> -> memref<1x256x128xf32, #tpu.memory_space<vmem>>
    %dma_wait3A_32 = tpu.memref_squeeze %dma_wait3A_31 : memref<1x256x128xf32, #tpu.memory_space<vmem>> -> memref<256x128xf32, #tpu.memory_space<vmem>>
    %dma_wait3A_33 = arith.constant 0 : i32
    %dma_wait3A_34 = tpu.memref_slice %arg5[%dma_wait3A_33] : memref<2048xi32, #tpu.memory_space<vmem>> -> memref<256xi32, #tpu.memory_space<vmem>>
    %dma_wait3A_35 = arith.constant 0 : i32
    %dma_wait3A_36 = arith.constant 0 : i32
    %dma_wait3A_37 = tpu.memref_slice %arg2[%dma_wait3A_35, %dma_wait3A_36] : memref<100000x128xf32, #tpu.memory_space<hbm>> -> memref<100000x128xf32, #tpu.memory_space<hbm>>
    %dma_wait3A_38 = tpu.memref_slice %arg7[%dma_wait3A_28] : memref<3x!tpu.dma_semaphore, #tpu.memory_space<semaphore_mem>> -> memref<1x!tpu.dma_semaphore, #tpu.memory_space<semaphore_mem>>
    %dma_wait3A_39 = tpu.memref_squeeze %dma_wait3A_38 : memref<1x!tpu.dma_semaphore, #tpu.memory_space<semaphore_mem>> -> memref<!tpu.dma_semaphore, #tpu.memory_space<semaphore_mem>>
    tpu.wait_indirect_dma semaphore(%dma_wait3A_39 : memref<!tpu.dma_semaphore, #tpu.memory_space<semaphore_mem>>) src(%dma_wait3A_37 : memref<100000x128xf32, #tpu.memory_space<hbm>>) dst(%dma_wait3A_32 : memref<256x128xf32, #tpu.memory_space<vmem>>)
    %add3A_40 = arith.constant 0 : i32
    %add3A_41 = arith.addi %mul3A_2, %add3A_40 : i32
    %dma_start3A_42 = arith.constant 0 : i32
    %dma_start3A_43 = arith.constant 0 : i32
    %dma_start3A_44 = arith.constant 0 : i32
    %dma_start3A_45 = arith.constant 0 : i32
    %dma_start3A_46 = tpu.memref_slice %arg6[%dma_start3A_42, %dma_start3A_44, %dma_start3A_45] : memref<3x256x128xf32, #tpu.memory_space<vmem>> -> memref<1x256x128xf32, #tpu.memory_space<vmem>>
    %dma_start3A_47 = tpu.memref_squeeze %dma_start3A_46 : memref<1x256x128xf32, #tpu.memory_space<vmem>> -> memref<256x128xf32, #tpu.memory_space<vmem>>
    %dma_start3A_48 = arith.constant 0 : i32
    %dma_start3A_49 = tpu.memref_slice %arg4[%add3A_41, %dma_start3A_48] : memref<65536x128xf32, #tpu.memory_space<hbm>> -> memref<256x128xf32, #tpu.memory_space<hbm>>
    %dma_start3A_50 = tpu.memref_slice %arg8[%dma_start3A_43] : memref<3x!tpu.dma_semaphore, #tpu.memory_space<semaphore_mem>> -> memref<1x!tpu.dma_semaphore, #tpu.memory_space<semaphore_mem>>
    %dma_start3A_51 = tpu.memref_squeeze %dma_start3A_50 : memref<1x!tpu.dma_semaphore, #tpu.memory_space<semaphore_mem>> -> memref<!tpu.dma_semaphore, #tpu.memory_space<semaphore_mem>>
    %dma_start3A_52 = arith.constant 0 : i32
    %dma_start3A_53 = tpu.memref_slice %arg4[%add3A_41, %dma_start3A_52] : memref<65536x128xf32, #tpu.memory_space<hbm>> -> memref<256x128xf32, #tpu.memory_space<hbm>>
    %dma_start3A_54 = arith.constant 0 : i32
    %dma_start3A_55 = arith.constant 0 : i32
    %dma_start3A_56 = tpu.memref_slice %arg6[%dma_start3A_42, %dma_start3A_54, %dma_start3A_55] : memref<3x256x128xf32, #tpu.memory_space<vmem>> -> memref<1x256x128xf32, #tpu.memory_space<vmem>>
    %dma_start3A_57 = tpu.memref_squeeze %dma_start3A_56 : memref<1x256x128xf32, #tpu.memory_space<vmem>> -> memref<256x128xf32, #tpu.memory_space<vmem>>
    tpu.enqueue_dma source(%dma_start3A_57 : memref<256x128xf32, #tpu.memory_space<vmem>>) target(%dma_start3A_53 : memref<256x128xf32, #tpu.memory_space<hbm>>) target_semaphore(%dma_start3A_51 : memref<!tpu.dma_semaphore, #tpu.memory_space<semaphore_mem>>)
    %dma_start3A_58 = arith.constant 2 : i32
    %dma_start3A_59 = arith.constant 2 : i32
    %dma_start3A_60 = arith.constant 0 : i32
    %dma_start3A_61 = arith.constant 0 : i32
    %dma_start3A_62 = tpu.memref_slice %arg6[%dma_start3A_58, %dma_start3A_60, %dma_start3A_61] : memref<3x256x128xf32, #tpu.memory_space<vmem>> -> memref<1x256x128xf32, #tpu.memory_space<vmem>>
    %dma_start3A_63 = tpu.memref_squeeze %dma_start3A_62 : memref<1x256x128xf32, #tpu.memory_space<vmem>> -> memref<256x128xf32, #tpu.memory_space<vmem>>
    %dma_start3A_64 = arith.constant 512 : i32
    %dma_start3A_65 = tpu.memref_slice %arg5[%dma_start3A_64] : memref<2048xi32, #tpu.memory_space<vmem>> -> memref<256xi32, #tpu.memory_space<vmem>>
    %dma_start3A_66 = arith.constant 0 : i32
    %dma_start3A_67 = arith.constant 0 : i32
    %dma_start3A_68 = tpu.memref_slice %arg2[%dma_start3A_66, %dma_start3A_67] : memref<100000x128xf32, #tpu.memory_space<hbm>> -> memref<100000x128xf32, #tpu.memory_space<hbm>>
    %dma_start3A_69 = tpu.memref_slice %arg7[%dma_start3A_59] : memref<3x!tpu.dma_semaphore, #tpu.memory_space<semaphore_mem>> -> memref<1x!tpu.dma_semaphore, #tpu.memory_space<semaphore_mem>>
    %dma_start3A_70 = tpu.memref_squeeze %dma_start3A_69 : memref<1x!tpu.dma_semaphore, #tpu.memory_space<semaphore_mem>> -> memref<!tpu.dma_semaphore, #tpu.memory_space<semaphore_mem>>
    tpu.enqueue_indirect_dma source(%dma_start3A_68 : memref<100000x128xf32, #tpu.memory_space<hbm>>) target(%dma_start3A_63 : memref<256x128xf32, #tpu.memory_space<vmem>>) offsets(%dma_start3A_65 : memref<256xi32, #tpu.memory_space<vmem>>) semaphore(%dma_start3A_70 : memref<!tpu.dma_semaphore, #tpu.memory_space<semaphore_mem>>)
    %dma_wait3A_71 = arith.constant 1 : i32
    %dma_wait3A_72 = arith.constant 1 : i32
    %dma_wait3A_73 = arith.constant 0 : i32
    %dma_wait3A_74 = arith.constant 0 : i32
    %dma_wait3A_75 = tpu.memref_slice %arg6[%dma_wait3A_71, %dma_wait3A_73, %dma_wait3A_74] : memref<3x256x128xf32, #tpu.memory_space<vmem>> -> memref<1x256x128xf32, #tpu.memory_space<vmem>>
    %dma_wait3A_76 = tpu.memref_squeeze %dma_wait3A_75 : memref<1x256x128xf32, #tpu.memory_space<vmem>> -> memref<256x128xf32, #tpu.memory_space<vmem>>
    %dma_wait3A_77 = arith.constant 256 : i32
    %dma_wait3A_78 = tpu.memref_slice %arg5[%dma_wait3A_77] : memref<2048xi32, #tpu.memory_space<vmem>> -> memref<256xi32, #tpu.memory_space<vmem>>
    %dma_wait3A_79 = arith.constant 0 : i32
    %dma_wait3A_80 = arith.constant 0 : i32
    %dma_wait3A_81 = tpu.memref_slice %arg2[%dma_wait3A_79, %dma_wait3A_80] : memref<100000x128xf32, #tpu.memory_space<hbm>> -> memref<100000x128xf32, #tpu.memory_space<hbm>>
    %dma_wait3A_82 = tpu.memref_slice %arg7[%dma_wait3A_72] : memref<3x!tpu.dma_semaphore, #tpu.memory_space<semaphore_mem>> -> memref<1x!tpu.dma_semaphore, #tpu.memory_space<semaphore_mem>>
    %dma_wait3A_83 = tpu.memref_squeeze %dma_wait3A_82 : memref<1x!tpu.dma_semaphore, #tpu.memory_space<semaphore_mem>> -> memref<!tpu.dma_semaphore, #tpu.memory_space<semaphore_mem>>
    tpu.wait_indirect_dma semaphore(%dma_wait3A_83 : memref<!tpu.dma_semaphore, #tpu.memory_space<semaphore_mem>>) src(%dma_wait3A_81 : memref<100000x128xf32, #tpu.memory_space<hbm>>) dst(%dma_wait3A_76 : memref<256x128xf32, #tpu.memory_space<vmem>>)
    %add3A_84 = arith.constant 256 : i32
    %add3A_85 = arith.addi %mul3A_2, %add3A_84 : i32
    %dma_start3A_86 = arith.constant 1 : i32
    %dma_start3A_87 = arith.constant 1 : i32
    %dma_start3A_88 = arith.constant 0 : i32
    %dma_start3A_89 = arith.constant 0 : i32
    %dma_start3A_90 = tpu.memref_slice %arg6[%dma_start3A_86, %dma_start3A_88, %dma_start3A_89] : memref<3x256x128xf32, #tpu.memory_space<vmem>> -> memref<1x256x128xf32, #tpu.memory_space<vmem>>
    %dma_start3A_91 = tpu.memref_squeeze %dma_start3A_90 : memref<1x256x128xf32, #tpu.memory_space<vmem>> -> memref<256x128xf32, #tpu.memory_space<vmem>>
    %dma_start3A_92 = arith.constant 0 : i32
    %dma_start3A_93 = tpu.memref_slice %arg4[%add3A_85, %dma_start3A_92] : memref<65536x128xf32, #tpu.memory_space<hbm>> -> memref<256x128xf32, #tpu.memory_space<hbm>>
    %dma_start3A_94 = tpu.memref_slice %arg8[%dma_start3A_87] : memref<3x!tpu.dma_semaphore, #tpu.memory_space<semaphore_mem>> -> memref<1x!tpu.dma_semaphore, #tpu.memory_space<semaphore_mem>>
    %dma_start3A_95 = tpu.memref_squeeze %dma_start3A_94 : memref<1x!tpu.dma_semaphore, #tpu.memory_space<semaphore_mem>> -> memref<!tpu.dma_semaphore, #tpu.memory_space<semaphore_mem>>
    %dma_start3A_96 = arith.constant 0 : i32
    %dma_start3A_97 = tpu.memref_slice %arg4[%add3A_85, %dma_start3A_96] : memref<65536x128xf32, #tpu.memory_space<hbm>> -> memref<256x128xf32, #tpu.memory_space<hbm>>
    %dma_start3A_98 = arith.constant 0 : i32
    %dma_start3A_99 = arith.constant 0 : i32
    %dma_start3A_100 = tpu.memref_slice %arg6[%dma_start3A_86, %dma_start3A_98, %dma_start3A_99] : memref<3x256x128xf32, #tpu.memory_space<vmem>> -> memref<1x256x128xf32, #tpu.memory_space<vmem>>
    %dma_start3A_101 = tpu.memref_squeeze %dma_start3A_100 : memref<1x256x128xf32, #tpu.memory_space<vmem>> -> memref<256x128xf32, #tpu.memory_space<vmem>>
    tpu.enqueue_dma source(%dma_start3A_101 : memref<256x128xf32, #tpu.memory_space<vmem>>) target(%dma_start3A_97 : memref<256x128xf32, #tpu.memory_space<hbm>>) target_semaphore(%dma_start3A_95 : memref<!tpu.dma_semaphore, #tpu.memory_space<semaphore_mem>>)
    %dma_wait3A_102 = arith.constant 0 : i32
    %dma_wait3A_103 = arith.constant 0 : i32
    %dma_wait3A_104 = arith.constant 0 : i32
    %dma_wait3A_105 = arith.constant 0 : i32
    %dma_wait3A_106 = tpu.memref_slice %arg6[%dma_wait3A_102, %dma_wait3A_104, %dma_wait3A_105] : memref<3x256x128xf32, #tpu.memory_space<vmem>> -> memref<1x256x128xf32, #tpu.memory_space<vmem>>
    %dma_wait3A_107 = tpu.memref_squeeze %dma_wait3A_106 : memref<1x256x128xf32, #tpu.memory_space<vmem>> -> memref<256x128xf32, #tpu.memory_space<vmem>>
    %dma_wait3A_108 = arith.constant 0 : i32
    %dma_wait3A_109 = tpu.memref_slice %arg4[%add3A_41, %dma_wait3A_108] : memref<65536x128xf32, #tpu.memory_space<hbm>> -> memref<256x128xf32, #tpu.memory_space<hbm>>
    %dma_wait3A_110 = tpu.memref_slice %arg8[%dma_wait3A_103] : memref<3x!tpu.dma_semaphore, #tpu.memory_space<semaphore_mem>> -> memref<1x!tpu.dma_semaphore, #tpu.memory_space<semaphore_mem>>
    %dma_wait3A_111 = tpu.memref_squeeze %dma_wait3A_110 : memref<1x!tpu.dma_semaphore, #tpu.memory_space<semaphore_mem>> -> memref<!tpu.dma_semaphore, #tpu.memory_space<semaphore_mem>>
    %dma_wait3A_112 = arith.constant 0 : i32
    %dma_wait3A_113 = tpu.memref_slice %arg4[%add3A_41, %dma_wait3A_112] : memref<65536x128xf32, #tpu.memory_space<hbm>> -> memref<256x128xf32, #tpu.memory_space<hbm>>
    %dma_wait3A_114 = arith.constant 0 : i32
    %dma_wait3A_115 = arith.constant 0 : i32
    %dma_wait3A_116 = tpu.memref_slice %arg6[%dma_wait3A_102, %dma_wait3A_114, %dma_wait3A_115] : memref<3x256x128xf32, #tpu.memory_space<vmem>> -> memref<1x256x128xf32, #tpu.memory_space<vmem>>
    %dma_wait3A_117 = tpu.memref_squeeze %dma_wait3A_116 : memref<1x256x128xf32, #tpu.memory_space<vmem>> -> memref<256x128xf32, #tpu.memory_space<vmem>>
    tpu.wait_dma2 semaphore(%dma_wait3A_111 : memref<!tpu.dma_semaphore, #tpu.memory_space<semaphore_mem>>) src(%dma_wait3A_117 : memref<256x128xf32, #tpu.memory_space<vmem>>) dst(%dma_wait3A_113 : memref<256x128xf32, #tpu.memory_space<hbm>>)
    %dma_start3A_118 = arith.constant 0 : i32
    %dma_start3A_119 = arith.constant 0 : i32
    %dma_start3A_120 = arith.constant 0 : i32
    %dma_start3A_121 = arith.constant 0 : i32
    %dma_start3A_122 = tpu.memref_slice %arg6[%dma_start3A_118, %dma_start3A_120, %dma_start3A_121] : memref<3x256x128xf32, #tpu.memory_space<vmem>> -> memref<1x256x128xf32, #tpu.memory_space<vmem>>
    %dma_start3A_123 = tpu.memref_squeeze %dma_start3A_122 : memref<1x256x128xf32, #tpu.memory_space<vmem>> -> memref<256x128xf32, #tpu.memory_space<vmem>>
    %dma_start3A_124 = arith.constant 768 : i32
    %dma_start3A_125 = tpu.memref_slice %arg5[%dma_start3A_124] : memref<2048xi32, #tpu.memory_space<vmem>> -> memref<256xi32, #tpu.memory_space<vmem>>
    %dma_start3A_126 = arith.constant 0 : i32
    %dma_start3A_127 = arith.constant 0 : i32
    %dma_start3A_128 = tpu.memref_slice %arg2[%dma_start3A_126, %dma_start3A_127] : memref<100000x128xf32, #tpu.memory_space<hbm>> -> memref<100000x128xf32, #tpu.memory_space<hbm>>
    %dma_start3A_129 = tpu.memref_slice %arg7[%dma_start3A_119] : memref<3x!tpu.dma_semaphore, #tpu.memory_space<semaphore_mem>> -> memref<1x!tpu.dma_semaphore, #tpu.memory_space<semaphore_mem>>
    %dma_start3A_130 = tpu.memref_squeeze %dma_start3A_129 : memref<1x!tpu.dma_semaphore, #tpu.memory_space<semaphore_mem>> -> memref<!tpu.dma_semaphore, #tpu.memory_space<semaphore_mem>>
    tpu.enqueue_indirect_dma source(%dma_start3A_128 : memref<100000x128xf32, #tpu.memory_space<hbm>>) target(%dma_start3A_123 : memref<256x128xf32, #tpu.memory_space<vmem>>) offsets(%dma_start3A_125 : memref<256xi32, #tpu.memory_space<vmem>>) semaphore(%dma_start3A_130 : memref<!tpu.dma_semaphore, #tpu.memory_space<semaphore_mem>>)
    %dma_wait3A_131 = arith.constant 2 : i32
    %dma_wait3A_132 = arith.constant 2 : i32
    %dma_wait3A_133 = arith.constant 0 : i32
    %dma_wait3A_134 = arith.constant 0 : i32
    %dma_wait3A_135 = tpu.memref_slice %arg6[%dma_wait3A_131, %dma_wait3A_133, %dma_wait3A_134] : memref<3x256x128xf32, #tpu.memory_space<vmem>> -> memref<1x256x128xf32, #tpu.memory_space<vmem>>
    %dma_wait3A_136 = tpu.memref_squeeze %dma_wait3A_135 : memref<1x256x128xf32, #tpu.memory_space<vmem>> -> memref<256x128xf32, #tpu.memory_space<vmem>>
    %dma_wait3A_137 = arith.constant 512 : i32
    %dma_wait3A_138 = tpu.memref_slice %arg5[%dma_wait3A_137] : memref<2048xi32, #tpu.memory_space<vmem>> -> memref<256xi32, #tpu.memory_space<vmem>>
    %dma_wait3A_139 = arith.constant 0 : i32
    %dma_wait3A_140 = arith.constant 0 : i32
    %dma_wait3A_141 = tpu.memref_slice %arg2[%dma_wait3A_139, %dma_wait3A_140] : memref<100000x128xf32, #tpu.memory_space<hbm>> -> memref<100000x128xf32, #tpu.memory_space<hbm>>
    %dma_wait3A_142 = tpu.memref_slice %arg7[%dma_wait3A_132] : memref<3x!tpu.dma_semaphore, #tpu.memory_space<semaphore_mem>> -> memref<1x!tpu.dma_semaphore, #tpu.memory_space<semaphore_mem>>
    %dma_wait3A_143 = tpu.memref_squeeze %dma_wait3A_142 : memref<1x!tpu.dma_semaphore, #tpu.memory_space<semaphore_mem>> -> memref<!tpu.dma_semaphore, #tpu.memory_space<semaphore_mem>>
    tpu.wait_indirect_dma semaphore(%dma_wait3A_143 : memref<!tpu.dma_semaphore, #tpu.memory_space<semaphore_mem>>) src(%dma_wait3A_141 : memref<100000x128xf32, #tpu.memory_space<hbm>>) dst(%dma_wait3A_136 : memref<256x128xf32, #tpu.memory_space<vmem>>)
    %add3A_144 = arith.constant 512 : i32
    %add3A_145 = arith.addi %mul3A_2, %add3A_144 : i32
    %dma_start3A_146 = arith.constant 2 : i32
    %dma_start3A_147 = arith.constant 2 : i32
    %dma_start3A_148 = arith.constant 0 : i32
    %dma_start3A_149 = arith.constant 0 : i32
    %dma_start3A_150 = tpu.memref_slice %arg6[%dma_start3A_146, %dma_start3A_148, %dma_start3A_149] : memref<3x256x128xf32, #tpu.memory_space<vmem>> -> memref<1x256x128xf32, #tpu.memory_space<vmem>>
    %dma_start3A_151 = tpu.memref_squeeze %dma_start3A_150 : memref<1x256x128xf32, #tpu.memory_space<vmem>> -> memref<256x128xf32, #tpu.memory_space<vmem>>
    %dma_start3A_152 = arith.constant 0 : i32
    %dma_start3A_153 = tpu.memref_slice %arg4[%add3A_145, %dma_start3A_152] : memref<65536x128xf32, #tpu.memory_space<hbm>> -> memref<256x128xf32, #tpu.memory_space<hbm>>
    %dma_start3A_154 = tpu.memref_slice %arg8[%dma_start3A_147] : memref<3x!tpu.dma_semaphore, #tpu.memory_space<semaphore_mem>> -> memref<1x!tpu.dma_semaphore, #tpu.memory_space<semaphore_mem>>
    %dma_start3A_155 = tpu.memref_squeeze %dma_start3A_154 : memref<1x!tpu.dma_semaphore, #tpu.memory_space<semaphore_mem>> -> memref<!tpu.dma_semaphore, #tpu.memory_space<semaphore_mem>>
    %dma_start3A_156 = arith.constant 0 : i32
    %dma_start3A_157 = tpu.memref_slice %arg4[%add3A_145, %dma_start3A_156] : memref<65536x128xf32, #tpu.memory_space<hbm>> -> memref<256x128xf32, #tpu.memory_space<hbm>>
    %dma_start3A_158 = arith.constant 0 : i32
    %dma_start3A_159 = arith.constant 0 : i32
    %dma_start3A_160 = tpu.memref_slice %arg6[%dma_start3A_146, %dma_start3A_158, %dma_start3A_159] : memref<3x256x128xf32, #tpu.memory_space<vmem>> -> memref<1x256x128xf32, #tpu.memory_space<vmem>>
    %dma_start3A_161 = tpu.memref_squeeze %dma_start3A_160 : memref<1x256x128xf32, #tpu.memory_space<vmem>> -> memref<256x128xf32, #tpu.memory_space<vmem>>
    tpu.enqueue_dma source(%dma_start3A_161 : memref<256x128xf32, #tpu.memory_space<vmem>>) target(%dma_start3A_157 : memref<256x128xf32, #tpu.memory_space<hbm>>) target_semaphore(%dma_start3A_155 : memref<!tpu.dma_semaphore, #tpu.memory_space<semaphore_mem>>)
    %dma_wait3A_162 = arith.constant 1 : i32
    %dma_wait3A_163 = arith.constant 1 : i32
    %dma_wait3A_164 = arith.constant 0 : i32
    %dma_wait3A_165 = arith.constant 0 : i32
    %dma_wait3A_166 = tpu.memref_slice %arg6[%dma_wait3A_162, %dma_wait3A_164, %dma_wait3A_165] : memref<3x256x128xf32, #tpu.memory_space<vmem>> -> memref<1x256x128xf32, #tpu.memory_space<vmem>>
    %dma_wait3A_167 = tpu.memref_squeeze %dma_wait3A_166 : memref<1x256x128xf32, #tpu.memory_space<vmem>> -> memref<256x128xf32, #tpu.memory_space<vmem>>
    %dma_wait3A_168 = arith.constant 0 : i32
    %dma_wait3A_169 = tpu.memref_slice %arg4[%add3A_85, %dma_wait3A_168] : memref<65536x128xf32, #tpu.memory_space<hbm>> -> memref<256x128xf32, #tpu.memory_space<hbm>>
    %dma_wait3A_170 = tpu.memref_slice %arg8[%dma_wait3A_163] : memref<3x!tpu.dma_semaphore, #tpu.memory_space<semaphore_mem>> -> memref<1x!tpu.dma_semaphore, #tpu.memory_space<semaphore_mem>>
    %dma_wait3A_171 = tpu.memref_squeeze %dma_wait3A_170 : memref<1x!tpu.dma_semaphore, #tpu.memory_space<semaphore_mem>> -> memref<!tpu.dma_semaphore, #tpu.memory_space<semaphore_mem>>
    %dma_wait3A_172 = arith.constant 0 : i32
    %dma_wait3A_173 = tpu.memref_slice %arg4[%add3A_85, %dma_wait3A_172] : memref<65536x128xf32, #tpu.memory_space<hbm>> -> memref<256x128xf32, #tpu.memory_space<hbm>>
    %dma_wait3A_174 = arith.constant 0 : i32
    %dma_wait3A_175 = arith.constant 0 : i32
    %dma_wait3A_176 = tpu.memref_slice %arg6[%dma_wait3A_162, %dma_wait3A_174, %dma_wait3A_175] : memref<3x256x128xf32, #tpu.memory_space<vmem>> -> memref<1x256x128xf32, #tpu.memory_space<vmem>>
    %dma_wait3A_177 = tpu.memref_squeeze %dma_wait3A_176 : memref<1x256x128xf32, #tpu.memory_space<vmem>> -> memref<256x128xf32, #tpu.memory_space<vmem>>
    tpu.wait_dma2 semaphore(%dma_wait3A_171 : memref<!tpu.dma_semaphore, #tpu.memory_space<semaphore_mem>>) src(%dma_wait3A_177 : memref<256x128xf32, #tpu.memory_space<vmem>>) dst(%dma_wait3A_173 : memref<256x128xf32, #tpu.memory_space<hbm>>)
    %dma_start3A_178 = arith.constant 1 : i32
    %dma_start3A_179 = arith.constant 1 : i32
    %dma_start3A_180 = arith.constant 0 : i32
    %dma_start3A_181 = arith.constant 0 : i32
    %dma_start3A_182 = tpu.memref_slice %arg6[%dma_start3A_178, %dma_start3A_180, %dma_start3A_181] : memref<3x256x128xf32, #tpu.memory_space<vmem>> -> memref<1x256x128xf32, #tpu.memory_space<vmem>>
    %dma_start3A_183 = tpu.memref_squeeze %dma_start3A_182 : memref<1x256x128xf32, #tpu.memory_space<vmem>> -> memref<256x128xf32, #tpu.memory_space<vmem>>
    %dma_start3A_184 = arith.constant 1024 : i32
    %dma_start3A_185 = tpu.memref_slice %arg5[%dma_start3A_184] : memref<2048xi32, #tpu.memory_space<vmem>> -> memref<256xi32, #tpu.memory_space<vmem>>
    %dma_start3A_186 = arith.constant 0 : i32
    %dma_start3A_187 = arith.constant 0 : i32
    %dma_start3A_188 = tpu.memref_slice %arg2[%dma_start3A_186, %dma_start3A_187] : memref<100000x128xf32, #tpu.memory_space<hbm>> -> memref<100000x128xf32, #tpu.memory_space<hbm>>
    %dma_start3A_189 = tpu.memref_slice %arg7[%dma_start3A_179] : memref<3x!tpu.dma_semaphore, #tpu.memory_space<semaphore_mem>> -> memref<1x!tpu.dma_semaphore, #tpu.memory_space<semaphore_mem>>
    %dma_start3A_190 = tpu.memref_squeeze %dma_start3A_189 : memref<1x!tpu.dma_semaphore, #tpu.memory_space<semaphore_mem>> -> memref<!tpu.dma_semaphore, #tpu.memory_space<semaphore_mem>>
    tpu.enqueue_indirect_dma source(%dma_start3A_188 : memref<100000x128xf32, #tpu.memory_space<hbm>>) target(%dma_start3A_183 : memref<256x128xf32, #tpu.memory_space<vmem>>) offsets(%dma_start3A_185 : memref<256xi32, #tpu.memory_space<vmem>>) semaphore(%dma_start3A_190 : memref<!tpu.dma_semaphore, #tpu.memory_space<semaphore_mem>>)
    %dma_wait3A_191 = arith.constant 0 : i32
    %dma_wait3A_192 = arith.constant 0 : i32
    %dma_wait3A_193 = arith.constant 0 : i32
    %dma_wait3A_194 = arith.constant 0 : i32
    %dma_wait3A_195 = tpu.memref_slice %arg6[%dma_wait3A_191, %dma_wait3A_193, %dma_wait3A_194] : memref<3x256x128xf32, #tpu.memory_space<vmem>> -> memref<1x256x128xf32, #tpu.memory_space<vmem>>
    %dma_wait3A_196 = tpu.memref_squeeze %dma_wait3A_195 : memref<1x256x128xf32, #tpu.memory_space<vmem>> -> memref<256x128xf32, #tpu.memory_space<vmem>>
    %dma_wait3A_197 = arith.constant 768 : i32
    %dma_wait3A_198 = tpu.memref_slice %arg5[%dma_wait3A_197] : memref<2048xi32, #tpu.memory_space<vmem>> -> memref<256xi32, #tpu.memory_space<vmem>>
    %dma_wait3A_199 = arith.constant 0 : i32
    %dma_wait3A_200 = arith.constant 0 : i32
    %dma_wait3A_201 = tpu.memref_slice %arg2[%dma_wait3A_199, %dma_wait3A_200] : memref<100000x128xf32, #tpu.memory_space<hbm>> -> memref<100000x128xf32, #tpu.memory_space<hbm>>
    %dma_wait3A_202 = tpu.memref_slice %arg7[%dma_wait3A_192] : memref<3x!tpu.dma_semaphore, #tpu.memory_space<semaphore_mem>> -> memref<1x!tpu.dma_semaphore, #tpu.memory_space<semaphore_mem>>
    %dma_wait3A_203 = tpu.memref_squeeze %dma_wait3A_202 : memref<1x!tpu.dma_semaphore, #tpu.memory_space<semaphore_mem>> -> memref<!tpu.dma_semaphore, #tpu.memory_space<semaphore_mem>>
    tpu.wait_indirect_dma semaphore(%dma_wait3A_203 : memref<!tpu.dma_semaphore, #tpu.memory_space<semaphore_mem>>) src(%dma_wait3A_201 : memref<100000x128xf32, #tpu.memory_space<hbm>>) dst(%dma_wait3A_196 : memref<256x128xf32, #tpu.memory_space<vmem>>)
    %add3A_204 = arith.constant 768 : i32
    %add3A_205 = arith.addi %mul3A_2, %add3A_204 : i32
    %dma_start3A_206 = arith.constant 0 : i32
    %dma_start3A_207 = arith.constant 0 : i32
    %dma_start3A_208 = arith.constant 0 : i32
    %dma_start3A_209 = arith.constant 0 : i32
    %dma_start3A_210 = tpu.memref_slice %arg6[%dma_start3A_206, %dma_start3A_208, %dma_start3A_209] : memref<3x256x128xf32, #tpu.memory_space<vmem>> -> memref<1x256x128xf32, #tpu.memory_space<vmem>>
    %dma_start3A_211 = tpu.memref_squeeze %dma_start3A_210 : memref<1x256x128xf32, #tpu.memory_space<vmem>> -> memref<256x128xf32, #tpu.memory_space<vmem>>
    %dma_start3A_212 = arith.constant 0 : i32
    %dma_start3A_213 = tpu.memref_slice %arg4[%add3A_205, %dma_start3A_212] : memref<65536x128xf32, #tpu.memory_space<hbm>> -> memref<256x128xf32, #tpu.memory_space<hbm>>
    %dma_start3A_214 = tpu.memref_slice %arg8[%dma_start3A_207] : memref<3x!tpu.dma_semaphore, #tpu.memory_space<semaphore_mem>> -> memref<1x!tpu.dma_semaphore, #tpu.memory_space<semaphore_mem>>
    %dma_start3A_215 = tpu.memref_squeeze %dma_start3A_214 : memref<1x!tpu.dma_semaphore, #tpu.memory_space<semaphore_mem>> -> memref<!tpu.dma_semaphore, #tpu.memory_space<semaphore_mem>>
    %dma_start3A_216 = arith.constant 0 : i32
    %dma_start3A_217 = tpu.memref_slice %arg4[%add3A_205, %dma_start3A_216] : memref<65536x128xf32, #tpu.memory_space<hbm>> -> memref<256x128xf32, #tpu.memory_space<hbm>>
    %dma_start3A_218 = arith.constant 0 : i32
    %dma_start3A_219 = arith.constant 0 : i32
    %dma_start3A_220 = tpu.memref_slice %arg6[%dma_start3A_206, %dma_start3A_218, %dma_start3A_219] : memref<3x256x128xf32, #tpu.memory_space<vmem>> -> memref<1x256x128xf32, #tpu.memory_space<vmem>>
    %dma_start3A_221 = tpu.memref_squeeze %dma_start3A_220 : memref<1x256x128xf32, #tpu.memory_space<vmem>> -> memref<256x128xf32, #tpu.memory_space<vmem>>
    tpu.enqueue_dma source(%dma_start3A_221 : memref<256x128xf32, #tpu.memory_space<vmem>>) target(%dma_start3A_217 : memref<256x128xf32, #tpu.memory_space<hbm>>) target_semaphore(%dma_start3A_215 : memref<!tpu.dma_semaphore, #tpu.memory_space<semaphore_mem>>)
    %dma_wait3A_222 = arith.constant 2 : i32
    %dma_wait3A_223 = arith.constant 2 : i32
    %dma_wait3A_224 = arith.constant 0 : i32
    %dma_wait3A_225 = arith.constant 0 : i32
    %dma_wait3A_226 = tpu.memref_slice %arg6[%dma_wait3A_222, %dma_wait3A_224, %dma_wait3A_225] : memref<3x256x128xf32, #tpu.memory_space<vmem>> -> memref<1x256x128xf32, #tpu.memory_space<vmem>>
    %dma_wait3A_227 = tpu.memref_squeeze %dma_wait3A_226 : memref<1x256x128xf32, #tpu.memory_space<vmem>> -> memref<256x128xf32, #tpu.memory_space<vmem>>
    %dma_wait3A_228 = arith.constant 0 : i32
    %dma_wait3A_229 = tpu.memref_slice %arg4[%add3A_145, %dma_wait3A_228] : memref<65536x128xf32, #tpu.memory_space<hbm>> -> memref<256x128xf32, #tpu.memory_space<hbm>>
    %dma_wait3A_230 = tpu.memref_slice %arg8[%dma_wait3A_223] : memref<3x!tpu.dma_semaphore, #tpu.memory_space<semaphore_mem>> -> memref<1x!tpu.dma_semaphore, #tpu.memory_space<semaphore_mem>>
    %dma_wait3A_231 = tpu.memref_squeeze %dma_wait3A_230 : memref<1x!tpu.dma_semaphore, #tpu.memory_space<semaphore_mem>> -> memref<!tpu.dma_semaphore, #tpu.memory_space<semaphore_mem>>
    %dma_wait3A_232 = arith.constant 0 : i32
    %dma_wait3A_233 = tpu.memref_slice %arg4[%add3A_145, %dma_wait3A_232] : memref<65536x128xf32, #tpu.memory_space<hbm>> -> memref<256x128xf32, #tpu.memory_space<hbm>>
    %dma_wait3A_234 = arith.constant 0 : i32
    %dma_wait3A_235 = arith.constant 0 : i32
    %dma_wait3A_236 = tpu.memref_slice %arg6[%dma_wait3A_222, %dma_wait3A_234, %dma_wait3A_235] : memref<3x256x128xf32, #tpu.memory_space<vmem>> -> memref<1x256x128xf32, #tpu.memory_space<vmem>>
    %dma_wait3A_237 = tpu.memref_squeeze %dma_wait3A_236 : memref<1x256x128xf32, #tpu.memory_space<vmem>> -> memref<256x128xf32, #tpu.memory_space<vmem>>
    tpu.wait_dma2 semaphore(%dma_wait3A_231 : memref<!tpu.dma_semaphore, #tpu.memory_space<semaphore_mem>>) src(%dma_wait3A_237 : memref<256x128xf32, #tpu.memory_space<vmem>>) dst(%dma_wait3A_233 : memref<256x128xf32, #tpu.memory_space<hbm>>)
    %dma_start3A_238 = arith.constant 2 : i32
    %dma_start3A_239 = arith.constant 2 : i32
    %dma_start3A_240 = arith.constant 0 : i32
    %dma_start3A_241 = arith.constant 0 : i32
    %dma_start3A_242 = tpu.memref_slice %arg6[%dma_start3A_238, %dma_start3A_240, %dma_start3A_241] : memref<3x256x128xf32, #tpu.memory_space<vmem>> -> memref<1x256x128xf32, #tpu.memory_space<vmem>>
    %dma_start3A_243 = tpu.memref_squeeze %dma_start3A_242 : memref<1x256x128xf32, #tpu.memory_space<vmem>> -> memref<256x128xf32, #tpu.memory_space<vmem>>
    %dma_start3A_244 = arith.constant 1280 : i32
    %dma_start3A_245 = tpu.memref_slice %arg5[%dma_start3A_244] : memref<2048xi32, #tpu.memory_space<vmem>> -> memref<256xi32, #tpu.memory_space<vmem>>
    %dma_start3A_246 = arith.constant 0 : i32
    %dma_start3A_247 = arith.constant 0 : i32
    %dma_start3A_248 = tpu.memref_slice %arg2[%dma_start3A_246, %dma_start3A_247] : memref<100000x128xf32, #tpu.memory_space<hbm>> -> memref<100000x128xf32, #tpu.memory_space<hbm>>
    %dma_start3A_249 = tpu.memref_slice %arg7[%dma_start3A_239] : memref<3x!tpu.dma_semaphore, #tpu.memory_space<semaphore_mem>> -> memref<1x!tpu.dma_semaphore, #tpu.memory_space<semaphore_mem>>
    %dma_start3A_250 = tpu.memref_squeeze %dma_start3A_249 : memref<1x!tpu.dma_semaphore, #tpu.memory_space<semaphore_mem>> -> memref<!tpu.dma_semaphore, #tpu.memory_space<semaphore_mem>>
    tpu.enqueue_indirect_dma source(%dma_start3A_248 : memref<100000x128xf32, #tpu.memory_space<hbm>>) target(%dma_start3A_243 : memref<256x128xf32, #tpu.memory_space<vmem>>) offsets(%dma_start3A_245 : memref<256xi32, #tpu.memory_space<vmem>>) semaphore(%dma_start3A_250 : memref<!tpu.dma_semaphore, #tpu.memory_space<semaphore_mem>>)
    %dma_wait3A_251 = arith.constant 1 : i32
    %dma_wait3A_252 = arith.constant 1 : i32
    %dma_wait3A_253 = arith.constant 0 : i32
    %dma_wait3A_254 = arith.constant 0 : i32
    %dma_wait3A_255 = tpu.memref_slice %arg6[%dma_wait3A_251, %dma_wait3A_253, %dma_wait3A_254] : memref<3x256x128xf32, #tpu.memory_space<vmem>> -> memref<1x256x128xf32, #tpu.memory_space<vmem>>
    %dma_wait3A_256 = tpu.memref_squeeze %dma_wait3A_255 : memref<1x256x128xf32, #tpu.memory_space<vmem>> -> memref<256x128xf32, #tpu.memory_space<vmem>>
    %dma_wait3A_257 = arith.constant 1024 : i32
    %dma_wait3A_258 = tpu.memref_slice %arg5[%dma_wait3A_257] : memref<2048xi32, #tpu.memory_space<vmem>> -> memref<256xi32, #tpu.memory_space<vmem>>
    %dma_wait3A_259 = arith.constant 0 : i32
    %dma_wait3A_260 = arith.constant 0 : i32
    %dma_wait3A_261 = tpu.memref_slice %arg2[%dma_wait3A_259, %dma_wait3A_260] : memref<100000x128xf32, #tpu.memory_space<hbm>> -> memref<100000x128xf32, #tpu.memory_space<hbm>>
    %dma_wait3A_262 = tpu.memref_slice %arg7[%dma_wait3A_252] : memref<3x!tpu.dma_semaphore, #tpu.memory_space<semaphore_mem>> -> memref<1x!tpu.dma_semaphore, #tpu.memory_space<semaphore_mem>>
    %dma_wait3A_263 = tpu.memref_squeeze %dma_wait3A_262 : memref<1x!tpu.dma_semaphore, #tpu.memory_space<semaphore_mem>> -> memref<!tpu.dma_semaphore, #tpu.memory_space<semaphore_mem>>
    tpu.wait_indirect_dma semaphore(%dma_wait3A_263 : memref<!tpu.dma_semaphore, #tpu.memory_space<semaphore_mem>>) src(%dma_wait3A_261 : memref<100000x128xf32, #tpu.memory_space<hbm>>) dst(%dma_wait3A_256 : memref<256x128xf32, #tpu.memory_space<vmem>>)
    %add3A_264 = arith.constant 1024 : i32
    %add3A_265 = arith.addi %mul3A_2, %add3A_264 : i32
    %dma_start3A_266 = arith.constant 1 : i32
    %dma_start3A_267 = arith.constant 1 : i32
    %dma_start3A_268 = arith.constant 0 : i32
    %dma_start3A_269 = arith.constant 0 : i32
    %dma_start3A_270 = tpu.memref_slice %arg6[%dma_start3A_266, %dma_start3A_268, %dma_start3A_269] : memref<3x256x128xf32, #tpu.memory_space<vmem>> -> memref<1x256x128xf32, #tpu.memory_space<vmem>>
    %dma_start3A_271 = tpu.memref_squeeze %dma_start3A_270 : memref<1x256x128xf32, #tpu.memory_space<vmem>> -> memref<256x128xf32, #tpu.memory_space<vmem>>
    %dma_start3A_272 = arith.constant 0 : i32
    %dma_start3A_273 = tpu.memref_slice %arg4[%add3A_265, %dma_start3A_272] : memref<65536x128xf32, #tpu.memory_space<hbm>> -> memref<256x128xf32, #tpu.memory_space<hbm>>
    %dma_start3A_274 = tpu.memref_slice %arg8[%dma_start3A_267] : memref<3x!tpu.dma_semaphore, #tpu.memory_space<semaphore_mem>> -> memref<1x!tpu.dma_semaphore, #tpu.memory_space<semaphore_mem>>
    %dma_start3A_275 = tpu.memref_squeeze %dma_start3A_274 : memref<1x!tpu.dma_semaphore, #tpu.memory_space<semaphore_mem>> -> memref<!tpu.dma_semaphore, #tpu.memory_space<semaphore_mem>>
    %dma_start3A_276 = arith.constant 0 : i32
    %dma_start3A_277 = tpu.memref_slice %arg4[%add3A_265, %dma_start3A_276] : memref<65536x128xf32, #tpu.memory_space<hbm>> -> memref<256x128xf32, #tpu.memory_space<hbm>>
    %dma_start3A_278 = arith.constant 0 : i32
    %dma_start3A_279 = arith.constant 0 : i32
    %dma_start3A_280 = tpu.memref_slice %arg6[%dma_start3A_266, %dma_start3A_278, %dma_start3A_279] : memref<3x256x128xf32, #tpu.memory_space<vmem>> -> memref<1x256x128xf32, #tpu.memory_space<vmem>>
    %dma_start3A_281 = tpu.memref_squeeze %dma_start3A_280 : memref<1x256x128xf32, #tpu.memory_space<vmem>> -> memref<256x128xf32, #tpu.memory_space<vmem>>
    tpu.enqueue_dma source(%dma_start3A_281 : memref<256x128xf32, #tpu.memory_space<vmem>>) target(%dma_start3A_277 : memref<256x128xf32, #tpu.memory_space<hbm>>) target_semaphore(%dma_start3A_275 : memref<!tpu.dma_semaphore, #tpu.memory_space<semaphore_mem>>)
    %dma_wait3A_282 = arith.constant 0 : i32
    %dma_wait3A_283 = arith.constant 0 : i32
    %dma_wait3A_284 = arith.constant 0 : i32
    %dma_wait3A_285 = arith.constant 0 : i32
    %dma_wait3A_286 = tpu.memref_slice %arg6[%dma_wait3A_282, %dma_wait3A_284, %dma_wait3A_285] : memref<3x256x128xf32, #tpu.memory_space<vmem>> -> memref<1x256x128xf32, #tpu.memory_space<vmem>>
    %dma_wait3A_287 = tpu.memref_squeeze %dma_wait3A_286 : memref<1x256x128xf32, #tpu.memory_space<vmem>> -> memref<256x128xf32, #tpu.memory_space<vmem>>
    %dma_wait3A_288 = arith.constant 0 : i32
    %dma_wait3A_289 = tpu.memref_slice %arg4[%add3A_205, %dma_wait3A_288] : memref<65536x128xf32, #tpu.memory_space<hbm>> -> memref<256x128xf32, #tpu.memory_space<hbm>>
    %dma_wait3A_290 = tpu.memref_slice %arg8[%dma_wait3A_283] : memref<3x!tpu.dma_semaphore, #tpu.memory_space<semaphore_mem>> -> memref<1x!tpu.dma_semaphore, #tpu.memory_space<semaphore_mem>>
    %dma_wait3A_291 = tpu.memref_squeeze %dma_wait3A_290 : memref<1x!tpu.dma_semaphore, #tpu.memory_space<semaphore_mem>> -> memref<!tpu.dma_semaphore, #tpu.memory_space<semaphore_mem>>
    %dma_wait3A_292 = arith.constant 0 : i32
    %dma_wait3A_293 = tpu.memref_slice %arg4[%add3A_205, %dma_wait3A_292] : memref<65536x128xf32, #tpu.memory_space<hbm>> -> memref<256x128xf32, #tpu.memory_space<hbm>>
    %dma_wait3A_294 = arith.constant 0 : i32
    %dma_wait3A_295 = arith.constant 0 : i32
    %dma_wait3A_296 = tpu.memref_slice %arg6[%dma_wait3A_282, %dma_wait3A_294, %dma_wait3A_295] : memref<3x256x128xf32, #tpu.memory_space<vmem>> -> memref<1x256x128xf32, #tpu.memory_space<vmem>>
    %dma_wait3A_297 = tpu.memref_squeeze %dma_wait3A_296 : memref<1x256x128xf32, #tpu.memory_space<vmem>> -> memref<256x128xf32, #tpu.memory_space<vmem>>
    tpu.wait_dma2 semaphore(%dma_wait3A_291 : memref<!tpu.dma_semaphore, #tpu.memory_space<semaphore_mem>>) src(%dma_wait3A_297 : memref<256x128xf32, #tpu.memory_space<vmem>>) dst(%dma_wait3A_293 : memref<256x128xf32, #tpu.memory_space<hbm>>)
    %dma_start3A_298 = arith.constant 0 : i32
    %dma_start3A_299 = arith.constant 0 : i32
    %dma_start3A_300 = arith.constant 0 : i32
    %dma_start3A_301 = arith.constant 0 : i32
    %dma_start3A_302 = tpu.memref_slice %arg6[%dma_start3A_298, %dma_start3A_300, %dma_start3A_301] : memref<3x256x128xf32, #tpu.memory_space<vmem>> -> memref<1x256x128xf32, #tpu.memory_space<vmem>>
    %dma_start3A_303 = tpu.memref_squeeze %dma_start3A_302 : memref<1x256x128xf32, #tpu.memory_space<vmem>> -> memref<256x128xf32, #tpu.memory_space<vmem>>
    %dma_start3A_304 = arith.constant 1536 : i32
    %dma_start3A_305 = tpu.memref_slice %arg5[%dma_start3A_304] : memref<2048xi32, #tpu.memory_space<vmem>> -> memref<256xi32, #tpu.memory_space<vmem>>
    %dma_start3A_306 = arith.constant 0 : i32
    %dma_start3A_307 = arith.constant 0 : i32
    %dma_start3A_308 = tpu.memref_slice %arg2[%dma_start3A_306, %dma_start3A_307] : memref<100000x128xf32, #tpu.memory_space<hbm>> -> memref<100000x128xf32, #tpu.memory_space<hbm>>
    %dma_start3A_309 = tpu.memref_slice %arg7[%dma_start3A_299] : memref<3x!tpu.dma_semaphore, #tpu.memory_space<semaphore_mem>> -> memref<1x!tpu.dma_semaphore, #tpu.memory_space<semaphore_mem>>
    %dma_start3A_310 = tpu.memref_squeeze %dma_start3A_309 : memref<1x!tpu.dma_semaphore, #tpu.memory_space<semaphore_mem>> -> memref<!tpu.dma_semaphore, #tpu.memory_space<semaphore_mem>>
    tpu.enqueue_indirect_dma source(%dma_start3A_308 : memref<100000x128xf32, #tpu.memory_space<hbm>>) target(%dma_start3A_303 : memref<256x128xf32, #tpu.memory_space<vmem>>) offsets(%dma_start3A_305 : memref<256xi32, #tpu.memory_space<vmem>>) semaphore(%dma_start3A_310 : memref<!tpu.dma_semaphore, #tpu.memory_space<semaphore_mem>>)
    %dma_wait3A_311 = arith.constant 2 : i32
    %dma_wait3A_312 = arith.constant 2 : i32
    %dma_wait3A_313 = arith.constant 0 : i32
    %dma_wait3A_314 = arith.constant 0 : i32
    %dma_wait3A_315 = tpu.memref_slice %arg6[%dma_wait3A_311, %dma_wait3A_313, %dma_wait3A_314] : memref<3x256x128xf32, #tpu.memory_space<vmem>> -> memref<1x256x128xf32, #tpu.memory_space<vmem>>
    %dma_wait3A_316 = tpu.memref_squeeze %dma_wait3A_315 : memref<1x256x128xf32, #tpu.memory_space<vmem>> -> memref<256x128xf32, #tpu.memory_space<vmem>>
    %dma_wait3A_317 = arith.constant 1280 : i32
    %dma_wait3A_318 = tpu.memref_slice %arg5[%dma_wait3A_317] : memref<2048xi32, #tpu.memory_space<vmem>> -> memref<256xi32, #tpu.memory_space<vmem>>
    %dma_wait3A_319 = arith.constant 0 : i32
    %dma_wait3A_320 = arith.constant 0 : i32
    %dma_wait3A_321 = tpu.memref_slice %arg2[%dma_wait3A_319, %dma_wait3A_320] : memref<100000x128xf32, #tpu.memory_space<hbm>> -> memref<100000x128xf32, #tpu.memory_space<hbm>>
    %dma_wait3A_322 = tpu.memref_slice %arg7[%dma_wait3A_312] : memref<3x!tpu.dma_semaphore, #tpu.memory_space<semaphore_mem>> -> memref<1x!tpu.dma_semaphore, #tpu.memory_space<semaphore_mem>>
    %dma_wait3A_323 = tpu.memref_squeeze %dma_wait3A_322 : memref<1x!tpu.dma_semaphore, #tpu.memory_space<semaphore_mem>> -> memref<!tpu.dma_semaphore, #tpu.memory_space<semaphore_mem>>
    tpu.wait_indirect_dma semaphore(%dma_wait3A_323 : memref<!tpu.dma_semaphore, #tpu.memory_space<semaphore_mem>>) src(%dma_wait3A_321 : memref<100000x128xf32, #tpu.memory_space<hbm>>) dst(%dma_wait3A_316 : memref<256x128xf32, #tpu.memory_space<vmem>>)
    %add3A_324 = arith.constant 1280 : i32
    %add3A_325 = arith.addi %mul3A_2, %add3A_324 : i32
    %dma_start3A_326 = arith.constant 2 : i32
    %dma_start3A_327 = arith.constant 2 : i32
    %dma_start3A_328 = arith.constant 0 : i32
    %dma_start3A_329 = arith.constant 0 : i32
    %dma_start3A_330 = tpu.memref_slice %arg6[%dma_start3A_326, %dma_start3A_328, %dma_start3A_329] : memref<3x256x128xf32, #tpu.memory_space<vmem>> -> memref<1x256x128xf32, #tpu.memory_space<vmem>>
    %dma_start3A_331 = tpu.memref_squeeze %dma_start3A_330 : memref<1x256x128xf32, #tpu.memory_space<vmem>> -> memref<256x128xf32, #tpu.memory_space<vmem>>
    %dma_start3A_332 = arith.constant 0 : i32
    %dma_start3A_333 = tpu.memref_slice %arg4[%add3A_325, %dma_start3A_332] : memref<65536x128xf32, #tpu.memory_space<hbm>> -> memref<256x128xf32, #tpu.memory_space<hbm>>
    %dma_start3A_334 = tpu.memref_slice %arg8[%dma_start3A_327] : memref<3x!tpu.dma_semaphore, #tpu.memory_space<semaphore_mem>> -> memref<1x!tpu.dma_semaphore, #tpu.memory_space<semaphore_mem>>
    %dma_start3A_335 = tpu.memref_squeeze %dma_start3A_334 : memref<1x!tpu.dma_semaphore, #tpu.memory_space<semaphore_mem>> -> memref<!tpu.dma_semaphore, #tpu.memory_space<semaphore_mem>>
    %dma_start3A_336 = arith.constant 0 : i32
    %dma_start3A_337 = tpu.memref_slice %arg4[%add3A_325, %dma_start3A_336] : memref<65536x128xf32, #tpu.memory_space<hbm>> -> memref<256x128xf32, #tpu.memory_space<hbm>>
    %dma_start3A_338 = arith.constant 0 : i32
    %dma_start3A_339 = arith.constant 0 : i32
    %dma_start3A_340 = tpu.memref_slice %arg6[%dma_start3A_326, %dma_start3A_338, %dma_start3A_339] : memref<3x256x128xf32, #tpu.memory_space<vmem>> -> memref<1x256x128xf32, #tpu.memory_space<vmem>>
    %dma_start3A_341 = tpu.memref_squeeze %dma_start3A_340 : memref<1x256x128xf32, #tpu.memory_space<vmem>> -> memref<256x128xf32, #tpu.memory_space<vmem>>
    tpu.enqueue_dma source(%dma_start3A_341 : memref<256x128xf32, #tpu.memory_space<vmem>>) target(%dma_start3A_337 : memref<256x128xf32, #tpu.memory_space<hbm>>) target_semaphore(%dma_start3A_335 : memref<!tpu.dma_semaphore, #tpu.memory_space<semaphore_mem>>)
    %dma_wait3A_342 = arith.constant 1 : i32
    %dma_wait3A_343 = arith.constant 1 : i32
    %dma_wait3A_344 = arith.constant 0 : i32
    %dma_wait3A_345 = arith.constant 0 : i32
    %dma_wait3A_346 = tpu.memref_slice %arg6[%dma_wait3A_342, %dma_wait3A_344, %dma_wait3A_345] : memref<3x256x128xf32, #tpu.memory_space<vmem>> -> memref<1x256x128xf32, #tpu.memory_space<vmem>>
    %dma_wait3A_347 = tpu.memref_squeeze %dma_wait3A_346 : memref<1x256x128xf32, #tpu.memory_space<vmem>> -> memref<256x128xf32, #tpu.memory_space<vmem>>
    %dma_wait3A_348 = arith.constant 0 : i32
    %dma_wait3A_349 = tpu.memref_slice %arg4[%add3A_265, %dma_wait3A_348] : memref<65536x128xf32, #tpu.memory_space<hbm>> -> memref<256x128xf32, #tpu.memory_space<hbm>>
    %dma_wait3A_350 = tpu.memref_slice %arg8[%dma_wait3A_343] : memref<3x!tpu.dma_semaphore, #tpu.memory_space<semaphore_mem>> -> memref<1x!tpu.dma_semaphore, #tpu.memory_space<semaphore_mem>>
    %dma_wait3A_351 = tpu.memref_squeeze %dma_wait3A_350 : memref<1x!tpu.dma_semaphore, #tpu.memory_space<semaphore_mem>> -> memref<!tpu.dma_semaphore, #tpu.memory_space<semaphore_mem>>
    %dma_wait3A_352 = arith.constant 0 : i32
    %dma_wait3A_353 = tpu.memref_slice %arg4[%add3A_265, %dma_wait3A_352] : memref<65536x128xf32, #tpu.memory_space<hbm>> -> memref<256x128xf32, #tpu.memory_space<hbm>>
    %dma_wait3A_354 = arith.constant 0 : i32
    %dma_wait3A_355 = arith.constant 0 : i32
    %dma_wait3A_356 = tpu.memref_slice %arg6[%dma_wait3A_342, %dma_wait3A_354, %dma_wait3A_355] : memref<3x256x128xf32, #tpu.memory_space<vmem>> -> memref<1x256x128xf32, #tpu.memory_space<vmem>>
    %dma_wait3A_357 = tpu.memref_squeeze %dma_wait3A_356 : memref<1x256x128xf32, #tpu.memory_space<vmem>> -> memref<256x128xf32, #tpu.memory_space<vmem>>
    tpu.wait_dma2 semaphore(%dma_wait3A_351 : memref<!tpu.dma_semaphore, #tpu.memory_space<semaphore_mem>>) src(%dma_wait3A_357 : memref<256x128xf32, #tpu.memory_space<vmem>>) dst(%dma_wait3A_353 : memref<256x128xf32, #tpu.memory_space<hbm>>)
    %dma_start3A_358 = arith.constant 1 : i32
    %dma_start3A_359 = arith.constant 1 : i32
    %dma_start3A_360 = arith.constant 0 : i32
    %dma_start3A_361 = arith.constant 0 : i32
    %dma_start3A_362 = tpu.memref_slice %arg6[%dma_start3A_358, %dma_start3A_360, %dma_start3A_361] : memref<3x256x128xf32, #tpu.memory_space<vmem>> -> memref<1x256x128xf32, #tpu.memory_space<vmem>>
    %dma_start3A_363 = tpu.memref_squeeze %dma_start3A_362 : memref<1x256x128xf32, #tpu.memory_space<vmem>> -> memref<256x128xf32, #tpu.memory_space<vmem>>
    %dma_start3A_364 = arith.constant 1792 : i32
    %dma_start3A_365 = tpu.memref_slice %arg5[%dma_start3A_364] : memref<2048xi32, #tpu.memory_space<vmem>> -> memref<256xi32, #tpu.memory_space<vmem>>
    %dma_start3A_366 = arith.constant 0 : i32
    %dma_start3A_367 = arith.constant 0 : i32
    %dma_start3A_368 = tpu.memref_slice %arg2[%dma_start3A_366, %dma_start3A_367] : memref<100000x128xf32, #tpu.memory_space<hbm>> -> memref<100000x128xf32, #tpu.memory_space<hbm>>
    %dma_start3A_369 = tpu.memref_slice %arg7[%dma_start3A_359] : memref<3x!tpu.dma_semaphore, #tpu.memory_space<semaphore_mem>> -> memref<1x!tpu.dma_semaphore, #tpu.memory_space<semaphore_mem>>
    %dma_start3A_370 = tpu.memref_squeeze %dma_start3A_369 : memref<1x!tpu.dma_semaphore, #tpu.memory_space<semaphore_mem>> -> memref<!tpu.dma_semaphore, #tpu.memory_space<semaphore_mem>>
    tpu.enqueue_indirect_dma source(%dma_start3A_368 : memref<100000x128xf32, #tpu.memory_space<hbm>>) target(%dma_start3A_363 : memref<256x128xf32, #tpu.memory_space<vmem>>) offsets(%dma_start3A_365 : memref<256xi32, #tpu.memory_space<vmem>>) semaphore(%dma_start3A_370 : memref<!tpu.dma_semaphore, #tpu.memory_space<semaphore_mem>>)
    %dma_wait3A_371 = arith.constant 0 : i32
    %dma_wait3A_372 = arith.constant 0 : i32
    %dma_wait3A_373 = arith.constant 0 : i32
    %dma_wait3A_374 = arith.constant 0 : i32
    %dma_wait3A_375 = tpu.memref_slice %arg6[%dma_wait3A_371, %dma_wait3A_373, %dma_wait3A_374] : memref<3x256x128xf32, #tpu.memory_space<vmem>> -> memref<1x256x128xf32, #tpu.memory_space<vmem>>
    %dma_wait3A_376 = tpu.memref_squeeze %dma_wait3A_375 : memref<1x256x128xf32, #tpu.memory_space<vmem>> -> memref<256x128xf32, #tpu.memory_space<vmem>>
    %dma_wait3A_377 = arith.constant 1536 : i32
    %dma_wait3A_378 = tpu.memref_slice %arg5[%dma_wait3A_377] : memref<2048xi32, #tpu.memory_space<vmem>> -> memref<256xi32, #tpu.memory_space<vmem>>
    %dma_wait3A_379 = arith.constant 0 : i32
    %dma_wait3A_380 = arith.constant 0 : i32
    %dma_wait3A_381 = tpu.memref_slice %arg2[%dma_wait3A_379, %dma_wait3A_380] : memref<100000x128xf32, #tpu.memory_space<hbm>> -> memref<100000x128xf32, #tpu.memory_space<hbm>>
    %dma_wait3A_382 = tpu.memref_slice %arg7[%dma_wait3A_372] : memref<3x!tpu.dma_semaphore, #tpu.memory_space<semaphore_mem>> -> memref<1x!tpu.dma_semaphore, #tpu.memory_space<semaphore_mem>>
    %dma_wait3A_383 = tpu.memref_squeeze %dma_wait3A_382 : memref<1x!tpu.dma_semaphore, #tpu.memory_space<semaphore_mem>> -> memref<!tpu.dma_semaphore, #tpu.memory_space<semaphore_mem>>
    tpu.wait_indirect_dma semaphore(%dma_wait3A_383 : memref<!tpu.dma_semaphore, #tpu.memory_space<semaphore_mem>>) src(%dma_wait3A_381 : memref<100000x128xf32, #tpu.memory_space<hbm>>) dst(%dma_wait3A_376 : memref<256x128xf32, #tpu.memory_space<vmem>>)
    %add3A_384 = arith.constant 1536 : i32
    %add3A_385 = arith.addi %mul3A_2, %add3A_384 : i32
    %dma_start3A_386 = arith.constant 0 : i32
    %dma_start3A_387 = arith.constant 0 : i32
    %dma_start3A_388 = arith.constant 0 : i32
    %dma_start3A_389 = arith.constant 0 : i32
    %dma_start3A_390 = tpu.memref_slice %arg6[%dma_start3A_386, %dma_start3A_388, %dma_start3A_389] : memref<3x256x128xf32, #tpu.memory_space<vmem>> -> memref<1x256x128xf32, #tpu.memory_space<vmem>>
    %dma_start3A_391 = tpu.memref_squeeze %dma_start3A_390 : memref<1x256x128xf32, #tpu.memory_space<vmem>> -> memref<256x128xf32, #tpu.memory_space<vmem>>
    %dma_start3A_392 = arith.constant 0 : i32
    %dma_start3A_393 = tpu.memref_slice %arg4[%add3A_385, %dma_start3A_392] : memref<65536x128xf32, #tpu.memory_space<hbm>> -> memref<256x128xf32, #tpu.memory_space<hbm>>
    %dma_start3A_394 = tpu.memref_slice %arg8[%dma_start3A_387] : memref<3x!tpu.dma_semaphore, #tpu.memory_space<semaphore_mem>> -> memref<1x!tpu.dma_semaphore, #tpu.memory_space<semaphore_mem>>
    %dma_start3A_395 = tpu.memref_squeeze %dma_start3A_394 : memref<1x!tpu.dma_semaphore, #tpu.memory_space<semaphore_mem>> -> memref<!tpu.dma_semaphore, #tpu.memory_space<semaphore_mem>>
    %dma_start3A_396 = arith.constant 0 : i32
    %dma_start3A_397 = tpu.memref_slice %arg4[%add3A_385, %dma_start3A_396] : memref<65536x128xf32, #tpu.memory_space<hbm>> -> memref<256x128xf32, #tpu.memory_space<hbm>>
    %dma_start3A_398 = arith.constant 0 : i32
    %dma_start3A_399 = arith.constant 0 : i32
    %dma_start3A_400 = tpu.memref_slice %arg6[%dma_start3A_386, %dma_start3A_398, %dma_start3A_399] : memref<3x256x128xf32, #tpu.memory_space<vmem>> -> memref<1x256x128xf32, #tpu.memory_space<vmem>>
    %dma_start3A_401 = tpu.memref_squeeze %dma_start3A_400 : memref<1x256x128xf32, #tpu.memory_space<vmem>> -> memref<256x128xf32, #tpu.memory_space<vmem>>
    tpu.enqueue_dma source(%dma_start3A_401 : memref<256x128xf32, #tpu.memory_space<vmem>>) target(%dma_start3A_397 : memref<256x128xf32, #tpu.memory_space<hbm>>) target_semaphore(%dma_start3A_395 : memref<!tpu.dma_semaphore, #tpu.memory_space<semaphore_mem>>)
    %dma_wait3A_402 = arith.constant 1 : i32
    %dma_wait3A_403 = arith.constant 1 : i32
    %dma_wait3A_404 = arith.constant 0 : i32
    %dma_wait3A_405 = arith.constant 0 : i32
    %dma_wait3A_406 = tpu.memref_slice %arg6[%dma_wait3A_402, %dma_wait3A_404, %dma_wait3A_405] : memref<3x256x128xf32, #tpu.memory_space<vmem>> -> memref<1x256x128xf32, #tpu.memory_space<vmem>>
    %dma_wait3A_407 = tpu.memref_squeeze %dma_wait3A_406 : memref<1x256x128xf32, #tpu.memory_space<vmem>> -> memref<256x128xf32, #tpu.memory_space<vmem>>
    %dma_wait3A_408 = arith.constant 1792 : i32
    %dma_wait3A_409 = tpu.memref_slice %arg5[%dma_wait3A_408] : memref<2048xi32, #tpu.memory_space<vmem>> -> memref<256xi32, #tpu.memory_space<vmem>>
    %dma_wait3A_410 = arith.constant 0 : i32
    %dma_wait3A_411 = arith.constant 0 : i32
    %dma_wait3A_412 = tpu.memref_slice %arg2[%dma_wait3A_410, %dma_wait3A_411] : memref<100000x128xf32, #tpu.memory_space<hbm>> -> memref<100000x128xf32, #tpu.memory_space<hbm>>
    %dma_wait3A_413 = tpu.memref_slice %arg7[%dma_wait3A_403] : memref<3x!tpu.dma_semaphore, #tpu.memory_space<semaphore_mem>> -> memref<1x!tpu.dma_semaphore, #tpu.memory_space<semaphore_mem>>
    %dma_wait3A_414 = tpu.memref_squeeze %dma_wait3A_413 : memref<1x!tpu.dma_semaphore, #tpu.memory_space<semaphore_mem>> -> memref<!tpu.dma_semaphore, #tpu.memory_space<semaphore_mem>>
    tpu.wait_indirect_dma semaphore(%dma_wait3A_414 : memref<!tpu.dma_semaphore, #tpu.memory_space<semaphore_mem>>) src(%dma_wait3A_412 : memref<100000x128xf32, #tpu.memory_space<hbm>>) dst(%dma_wait3A_407 : memref<256x128xf32, #tpu.memory_space<vmem>>)
    %add3A_415 = arith.constant 1792 : i32
    %add3A_416 = arith.addi %mul3A_2, %add3A_415 : i32
    %dma_start3A_417 = arith.constant 1 : i32
    %dma_start3A_418 = arith.constant 1 : i32
    %dma_start3A_419 = arith.constant 0 : i32
    %dma_start3A_420 = arith.constant 0 : i32
    %dma_start3A_421 = tpu.memref_slice %arg6[%dma_start3A_417, %dma_start3A_419, %dma_start3A_420] : memref<3x256x128xf32, #tpu.memory_space<vmem>> -> memref<1x256x128xf32, #tpu.memory_space<vmem>>
    %dma_start3A_422 = tpu.memref_squeeze %dma_start3A_421 : memref<1x256x128xf32, #tpu.memory_space<vmem>> -> memref<256x128xf32, #tpu.memory_space<vmem>>
    %dma_start3A_423 = arith.constant 0 : i32
    %dma_start3A_424 = tpu.memref_slice %arg4[%add3A_416, %dma_start3A_423] : memref<65536x128xf32, #tpu.memory_space<hbm>> -> memref<256x128xf32, #tpu.memory_space<hbm>>
    %dma_start3A_425 = tpu.memref_slice %arg8[%dma_start3A_418] : memref<3x!tpu.dma_semaphore, #tpu.memory_space<semaphore_mem>> -> memref<1x!tpu.dma_semaphore, #tpu.memory_space<semaphore_mem>>
    %dma_start3A_426 = tpu.memref_squeeze %dma_start3A_425 : memref<1x!tpu.dma_semaphore, #tpu.memory_space<semaphore_mem>> -> memref<!tpu.dma_semaphore, #tpu.memory_space<semaphore_mem>>
    %dma_start3A_427 = arith.constant 0 : i32
    %dma_start3A_428 = tpu.memref_slice %arg4[%add3A_416, %dma_start3A_427] : memref<65536x128xf32, #tpu.memory_space<hbm>> -> memref<256x128xf32, #tpu.memory_space<hbm>>
    %dma_start3A_429 = arith.constant 0 : i32
    %dma_start3A_430 = arith.constant 0 : i32
    %dma_start3A_431 = tpu.memref_slice %arg6[%dma_start3A_417, %dma_start3A_429, %dma_start3A_430] : memref<3x256x128xf32, #tpu.memory_space<vmem>> -> memref<1x256x128xf32, #tpu.memory_space<vmem>>
    %dma_start3A_432 = tpu.memref_squeeze %dma_start3A_431 : memref<1x256x128xf32, #tpu.memory_space<vmem>> -> memref<256x128xf32, #tpu.memory_space<vmem>>
    tpu.enqueue_dma source(%dma_start3A_432 : memref<256x128xf32, #tpu.memory_space<vmem>>) target(%dma_start3A_428 : memref<256x128xf32, #tpu.memory_space<hbm>>) target_semaphore(%dma_start3A_426 : memref<!tpu.dma_semaphore, #tpu.memory_space<semaphore_mem>>)
    %dma_wait3A_433 = arith.constant 2 : i32
    %dma_wait3A_434 = arith.constant 2 : i32
    %dma_wait3A_435 = arith.constant 0 : i32
    %dma_wait3A_436 = arith.constant 0 : i32
    %dma_wait3A_437 = tpu.memref_slice %arg6[%dma_wait3A_433, %dma_wait3A_435, %dma_wait3A_436] : memref<3x256x128xf32, #tpu.memory_space<vmem>> -> memref<1x256x128xf32, #tpu.memory_space<vmem>>
    %dma_wait3A_438 = tpu.memref_squeeze %dma_wait3A_437 : memref<1x256x128xf32, #tpu.memory_space<vmem>> -> memref<256x128xf32, #tpu.memory_space<vmem>>
    %dma_wait3A_439 = arith.constant 0 : i32
    %dma_wait3A_440 = tpu.memref_slice %arg4[%add3A_325, %dma_wait3A_439] : memref<65536x128xf32, #tpu.memory_space<hbm>> -> memref<256x128xf32, #tpu.memory_space<hbm>>
    %dma_wait3A_441 = tpu.memref_slice %arg8[%dma_wait3A_434] : memref<3x!tpu.dma_semaphore, #tpu.memory_space<semaphore_mem>> -> memref<1x!tpu.dma_semaphore, #tpu.memory_space<semaphore_mem>>
    %dma_wait3A_442 = tpu.memref_squeeze %dma_wait3A_441 : memref<1x!tpu.dma_semaphore, #tpu.memory_space<semaphore_mem>> -> memref<!tpu.dma_semaphore, #tpu.memory_space<semaphore_mem>>
    %dma_wait3A_443 = arith.constant 0 : i32
    %dma_wait3A_444 = tpu.memref_slice %arg4[%add3A_325, %dma_wait3A_443] : memref<65536x128xf32, #tpu.memory_space<hbm>> -> memref<256x128xf32, #tpu.memory_space<hbm>>
    %dma_wait3A_445 = arith.constant 0 : i32
    %dma_wait3A_446 = arith.constant 0 : i32
    %dma_wait3A_447 = tpu.memref_slice %arg6[%dma_wait3A_433, %dma_wait3A_445, %dma_wait3A_446] : memref<3x256x128xf32, #tpu.memory_space<vmem>> -> memref<1x256x128xf32, #tpu.memory_space<vmem>>
    %dma_wait3A_448 = tpu.memref_squeeze %dma_wait3A_447 : memref<1x256x128xf32, #tpu.memory_space<vmem>> -> memref<256x128xf32, #tpu.memory_space<vmem>>
    tpu.wait_dma2 semaphore(%dma_wait3A_442 : memref<!tpu.dma_semaphore, #tpu.memory_space<semaphore_mem>>) src(%dma_wait3A_448 : memref<256x128xf32, #tpu.memory_space<vmem>>) dst(%dma_wait3A_444 : memref<256x128xf32, #tpu.memory_space<hbm>>)
    %dma_wait3A_449 = arith.constant 0 : i32
    %dma_wait3A_450 = arith.constant 0 : i32
    %dma_wait3A_451 = arith.constant 0 : i32
    %dma_wait3A_452 = arith.constant 0 : i32
    %dma_wait3A_453 = tpu.memref_slice %arg6[%dma_wait3A_449, %dma_wait3A_451, %dma_wait3A_452] : memref<3x256x128xf32, #tpu.memory_space<vmem>> -> memref<1x256x128xf32, #tpu.memory_space<vmem>>
    %dma_wait3A_454 = tpu.memref_squeeze %dma_wait3A_453 : memref<1x256x128xf32, #tpu.memory_space<vmem>> -> memref<256x128xf32, #tpu.memory_space<vmem>>
    %dma_wait3A_455 = arith.constant 0 : i32
    %dma_wait3A_456 = tpu.memref_slice %arg4[%add3A_385, %dma_wait3A_455] : memref<65536x128xf32, #tpu.memory_space<hbm>> -> memref<256x128xf32, #tpu.memory_space<hbm>>
    %dma_wait3A_457 = tpu.memref_slice %arg8[%dma_wait3A_450] : memref<3x!tpu.dma_semaphore, #tpu.memory_space<semaphore_mem>> -> memref<1x!tpu.dma_semaphore, #tpu.memory_space<semaphore_mem>>
    %dma_wait3A_458 = tpu.memref_squeeze %dma_wait3A_457 : memref<1x!tpu.dma_semaphore, #tpu.memory_space<semaphore_mem>> -> memref<!tpu.dma_semaphore, #tpu.memory_space<semaphore_mem>>
    %dma_wait3A_459 = arith.constant 0 : i32
    %dma_wait3A_460 = tpu.memref_slice %arg4[%add3A_385, %dma_wait3A_459] : memref<65536x128xf32, #tpu.memory_space<hbm>> -> memref<256x128xf32, #tpu.memory_space<hbm>>
    %dma_wait3A_461 = arith.constant 0 : i32
    %dma_wait3A_462 = arith.constant 0 : i32
    %dma_wait3A_463 = tpu.memref_slice %arg6[%dma_wait3A_449, %dma_wait3A_461, %dma_wait3A_462] : memref<3x256x128xf32, #tpu.memory_space<vmem>> -> memref<1x256x128xf32, #tpu.memory_space<vmem>>
    %dma_wait3A_464 = tpu.memref_squeeze %dma_wait3A_463 : memref<1x256x128xf32, #tpu.memory_space<vmem>> -> memref<256x128xf32, #tpu.memory_space<vmem>>
    tpu.wait_dma2 semaphore(%dma_wait3A_458 : memref<!tpu.dma_semaphore, #tpu.memory_space<semaphore_mem>>) src(%dma_wait3A_464 : memref<256x128xf32, #tpu.memory_space<vmem>>) dst(%dma_wait3A_460 : memref<256x128xf32, #tpu.memory_space<hbm>>)
    %dma_wait3A_465 = arith.constant 1 : i32
    %dma_wait3A_466 = arith.constant 1 : i32
    %dma_wait3A_467 = arith.constant 0 : i32
    %dma_wait3A_468 = arith.constant 0 : i32
    %dma_wait3A_469 = tpu.memref_slice %arg6[%dma_wait3A_465, %dma_wait3A_467, %dma_wait3A_468] : memref<3x256x128xf32, #tpu.memory_space<vmem>> -> memref<1x256x128xf32, #tpu.memory_space<vmem>>
    %dma_wait3A_470 = tpu.memref_squeeze %dma_wait3A_469 : memref<1x256x128xf32, #tpu.memory_space<vmem>> -> memref<256x128xf32, #tpu.memory_space<vmem>>
    %dma_wait3A_471 = arith.constant 0 : i32
    %dma_wait3A_472 = tpu.memref_slice %arg4[%add3A_416, %dma_wait3A_471] : memref<65536x128xf32, #tpu.memory_space<hbm>> -> memref<256x128xf32, #tpu.memory_space<hbm>>
    %dma_wait3A_473 = tpu.memref_slice %arg8[%dma_wait3A_466] : memref<3x!tpu.dma_semaphore, #tpu.memory_space<semaphore_mem>> -> memref<1x!tpu.dma_semaphore, #tpu.memory_space<semaphore_mem>>
    %dma_wait3A_474 = tpu.memref_squeeze %dma_wait3A_473 : memref<1x!tpu.dma_semaphore, #tpu.memory_space<semaphore_mem>> -> memref<!tpu.dma_semaphore, #tpu.memory_space<semaphore_mem>>
    %dma_wait3A_475 = arith.constant 0 : i32
    %dma_wait3A_476 = tpu.memref_slice %arg4[%add3A_416, %dma_wait3A_475] : memref<65536x128xf32, #tpu.memory_space<hbm>> -> memref<256x128xf32, #tpu.memory_space<hbm>>
    %dma_wait3A_477 = arith.constant 0 : i32
    %dma_wait3A_478 = arith.constant 0 : i32
    %dma_wait3A_479 = tpu.memref_slice %arg6[%dma_wait3A_465, %dma_wait3A_477, %dma_wait3A_478] : memref<3x256x128xf32, #tpu.memory_space<vmem>> -> memref<1x256x128xf32, #tpu.memory_space<vmem>>
    %dma_wait3A_480 = tpu.memref_squeeze %dma_wait3A_479 : memref<1x256x128xf32, #tpu.memory_space<vmem>> -> memref<256x128xf32, #tpu.memory_space<vmem>>
    tpu.wait_dma2 semaphore(%dma_wait3A_474 : memref<!tpu.dma_semaphore, #tpu.memory_space<semaphore_mem>>) src(%dma_wait3A_480 : memref<256x128xf32, #tpu.memory_space<vmem>>) dst(%dma_wait3A_476 : memref<256x128xf32, #tpu.memory_space<hbm>>)
    return
  }
}

module attributes {stable_mosaic.version = 14 : i64} {
  func.func @_tc_body(%arg0: i32, %arg1: memref<512x13xf32, #tpu.memory_space<vmem>>, %arg2: memref<16384x128xf32, #tpu.memory_space<vmem>>, %arg3: memref<13x512xbf16, #tpu.memory_space<vmem>>, %arg4: memref<1x512xf32, #tpu.memory_space<vmem>>, %arg5: memref<512x256xbf16, #tpu.memory_space<vmem>>, %arg6: memref<1x256xf32, #tpu.memory_space<vmem>>, %arg7: memref<256x128xbf16, #tpu.memory_space<vmem>>, %arg8: memref<1x128xf32, #tpu.memory_space<vmem>>, %arg9: memref<128x1024xbf16, #tpu.memory_space<vmem>>, %arg10: memref<1024x1024xbf16, #tpu.memory_space<vmem>>, %arg11: memref<1x1024xf32, #tpu.memory_space<vmem>>, %arg12: memref<1024x1024xbf16, #tpu.memory_space<vmem>>, %arg13: memref<1x1024xf32, #tpu.memory_space<vmem>>, %arg14: memref<1024x512xbf16, #tpu.memory_space<vmem>>, %arg15: memref<1x512xf32, #tpu.memory_space<vmem>>, %arg16: memref<512x256xbf16, #tpu.memory_space<vmem>>, %arg17: memref<1x256xf32, #tpu.memory_space<vmem>>, %arg18: memref<256x1xbf16, #tpu.memory_space<vmem>>, %arg19: memref<1x1xf32, #tpu.memory_space<vmem>>, %arg20: memref<512x1xf32, #tpu.memory_space<vmem>>) attributes {dimension_semantics = [#tpu.dimension_semantics<arbitrary>], iteration_bounds = array<i64: 4>, scalar_prefetch = 0 : i64, scratch_operands = 0 : i64, tpu.core_type = #tpu.core_type<tc>, window_params = [{transform_indices = @transform_0, window_bounds = array<i64: 512, 13>}, {transform_indices = @transform_1, window_bounds = array<i64: 16384, 128>}, {pipeline_mode = #tpu.pipeline_mode<synchronous>, transform_indices = @transform_2, window_bounds = array<i64: 13, 512>}, {pipeline_mode = #tpu.pipeline_mode<synchronous>, transform_indices = @transform_3, window_bounds = array<i64: 1, 512>}, {pipeline_mode = #tpu.pipeline_mode<synchronous>, transform_indices = @transform_4, window_bounds = array<i64: 512, 256>}, {pipeline_mode = #tpu.pipeline_mode<synchronous>, transform_indices = @transform_5, window_bounds = array<i64: 1, 256>}, {pipeline_mode = #tpu.pipeline_mode<synchronous>, transform_indices = @transform_6, window_bounds = array<i64: 256, 128>}, {pipeline_mode = #tpu.pipeline_mode<synchronous>, transform_indices = @transform_7, window_bounds = array<i64: 1, 128>}, {pipeline_mode = #tpu.pipeline_mode<synchronous>, transform_indices = @transform_8, window_bounds = array<i64: 128, 1024>}, {pipeline_mode = #tpu.pipeline_mode<synchronous>, transform_indices = @transform_9, window_bounds = array<i64: 1024, 1024>}, {pipeline_mode = #tpu.pipeline_mode<synchronous>, transform_indices = @transform_10, window_bounds = array<i64: 1, 1024>}, {pipeline_mode = #tpu.pipeline_mode<synchronous>, transform_indices = @transform_11, window_bounds = array<i64: 1024, 1024>}, {pipeline_mode = #tpu.pipeline_mode<synchronous>, transform_indices = @transform_12, window_bounds = array<i64: 1, 1024>}, {pipeline_mode = #tpu.pipeline_mode<synchronous>, transform_indices = @transform_13, window_bounds = array<i64: 1024, 512>}, {pipeline_mode = #tpu.pipeline_mode<synchronous>, transform_indices = @transform_14, window_bounds = array<i64: 1, 512>}, {pipeline_mode = #tpu.pipeline_mode<synchronous>, transform_indices = @transform_15, window_bounds = array<i64: 512, 256>}, {pipeline_mode = #tpu.pipeline_mode<synchronous>, transform_indices = @transform_16, window_bounds = array<i64: 1, 256>}, {pipeline_mode = #tpu.pipeline_mode<synchronous>, transform_indices = @transform_17, window_bounds = array<i64: 256, 1>}, {pipeline_mode = #tpu.pipeline_mode<synchronous>, transform_indices = @transform_18, window_bounds = array<i64: 1, 1>}, {transform_indices = @transform_19, window_bounds = array<i64: 512, 1>}]} {
    %get3A = arith.constant 0 : index
    %get3A_0 = arith.constant 0 : index
    %get3A_1 = vector.load %arg1[%get3A, %get3A_0] : memref<512x13xf32, #tpu.memory_space<vmem>>, vector<512x13xf32>
    %get3A_2 = arith.constant 0 : index
    %get3A_3 = arith.constant 0 : index
    %get3A_4 = vector.load %arg3[%get3A_2, %get3A_3] : memref<13x512xbf16, #tpu.memory_space<vmem>>, vector<13x512xbf16>
    %convert_element_type3A = arith.truncf %get3A_1 : vector<512x13xf32> to vector<512x13xbf16>
    %dot_general3A = arith.constant dense<0.000000e+00> : vector<512x512xf32>
    %dot_general3A_5 = tpu.matmul %convert_element_type3A, %get3A_4, %dot_general3A {dimension_numbers = #tpu.dot_dimension_numbers<[1], [0], [0], [1], [0, 0, 1, 1], [], []>, transpose_lhs_hint = false} : vector<512x13xbf16>, vector<13x512xbf16>, vector<512x512xf32> -> vector<512x512xf32>
    %get3A_6 = arith.constant 0 : index
    %get3A_7 = arith.constant 0 : index
    %get3A_8 = vector.load %arg4[%get3A_6, %get3A_7] : memref<1x512xf32, #tpu.memory_space<vmem>>, vector<1x512xf32>
    %add3A = vector.broadcast %get3A_8 : vector<1x512xf32> to vector<512x512xf32>
    %add3A_9 = arith.addf %dot_general3A_5, %add3A : vector<512x512xf32>
    %max3A = arith.constant 0.000000e+00 : f32
    %max3A_10 = vector.broadcast %max3A : f32 to vector<512x512xf32>
    %max3A_11 = arith.maximumf %add3A_9, %max3A_10 : vector<512x512xf32>
    %get3A_12 = arith.constant 0 : index
    %get3A_13 = arith.constant 0 : index
    %get3A_14 = vector.load %arg5[%get3A_12, %get3A_13] : memref<512x256xbf16, #tpu.memory_space<vmem>>, vector<512x256xbf16>
    %convert_element_type3A_15 = arith.truncf %max3A_11 : vector<512x512xf32> to vector<512x512xbf16>
    %dot_general3A_16 = arith.constant dense<0.000000e+00> : vector<512x256xf32>
    %dot_general3A_17 = tpu.matmul %convert_element_type3A_15, %get3A_14, %dot_general3A_16 {dimension_numbers = #tpu.dot_dimension_numbers<[1], [0], [0], [1], [0, 0, 1, 1], [], []>, transpose_lhs_hint = false} : vector<512x512xbf16>, vector<512x256xbf16>, vector<512x256xf32> -> vector<512x256xf32>
    %get3A_18 = arith.constant 0 : index
    %get3A_19 = arith.constant 0 : index
    %get3A_20 = vector.load %arg6[%get3A_18, %get3A_19] : memref<1x256xf32, #tpu.memory_space<vmem>>, vector<1x256xf32>
    %add3A_21 = vector.broadcast %get3A_20 : vector<1x256xf32> to vector<512x256xf32>
    %add3A_22 = arith.addf %dot_general3A_17, %add3A_21 : vector<512x256xf32>
    %max3A_23 = arith.constant 0.000000e+00 : f32
    %max3A_24 = vector.broadcast %max3A_23 : f32 to vector<512x256xf32>
    %max3A_25 = arith.maximumf %add3A_22, %max3A_24 : vector<512x256xf32>
    %get3A_26 = arith.constant 0 : index
    %get3A_27 = arith.constant 0 : index
    %get3A_28 = vector.load %arg7[%get3A_26, %get3A_27] : memref<256x128xbf16, #tpu.memory_space<vmem>>, vector<256x128xbf16>
    %convert_element_type3A_29 = arith.truncf %max3A_25 : vector<512x256xf32> to vector<512x256xbf16>
    %dot_general3A_30 = arith.constant dense<0.000000e+00> : vector<512x128xf32>
    %dot_general3A_31 = tpu.matmul %convert_element_type3A_29, %get3A_28, %dot_general3A_30 {dimension_numbers = #tpu.dot_dimension_numbers<[1], [0], [0], [1], [0, 0, 1, 1], [], []>, transpose_lhs_hint = false} : vector<512x256xbf16>, vector<256x128xbf16>, vector<512x128xf32> -> vector<512x128xf32>
    %get3A_32 = arith.constant 0 : index
    %get3A_33 = arith.constant 0 : index
    %get3A_34 = vector.load %arg8[%get3A_32, %get3A_33] : memref<1x128xf32, #tpu.memory_space<vmem>>, vector<1x128xf32>
    %add3A_35 = vector.broadcast %get3A_34 : vector<1x128xf32> to vector<512x128xf32>
    %add3A_36 = arith.addf %dot_general3A_31, %add3A_35 : vector<512x128xf32>
    %max3A_37 = arith.constant 0.000000e+00 : f32
    %max3A_38 = vector.broadcast %max3A_37 : f32 to vector<512x128xf32>
    %max3A_39 = arith.maximumf %add3A_36, %max3A_38 : vector<512x128xf32>
    %get3A_40 = arith.constant 0 : index
    %get3A_41 = arith.constant 0 : index
    %get3A_42 = vector.load %arg2[%get3A_40, %get3A_41] : memref<16384x128xf32, #tpu.memory_space<vmem>>, vector<16384x128xf32>
    %reshape3A = vector.shape_cast %get3A_42 : vector<16384x128xf32> to vector<512x32x128xf32>
    %iota3A = tpu.iota {dimensions = array<i32: 1>} : vector<512x32x128xi32>
    %eq3A = arith.constant 26 : i32
    %eq3A_43 = vector.broadcast %eq3A : i32 to vector<512x32x128xi32>
    %eq3A_44 = arith.cmpi eq, %iota3A, %eq3A_43 : vector<512x32x128xi32>
    %reshape3A_45 = vector.shape_cast %max3A_39 : vector<512x128xf32> to vector<512x1x128xf32>
    %broadcast_in_dim3A = vector.shape_cast %reshape3A_45 : vector<512x1x128xf32> to vector<512x1x128xf32>
    %broadcast_in_dim3A_46 = vector.broadcast %broadcast_in_dim3A : vector<512x1x128xf32> to vector<512x32x128xf32>
    %select_n3A = arith.select %eq3A_44, %broadcast_in_dim3A_46, %reshape3A : vector<512x32x128xi1>, vector<512x32x128xf32>
    %convert_element_type3A_47 = arith.truncf %select_n3A : vector<512x32x128xf32> to vector<512x32x128xbf16>
    %dot_general3A_48 = arith.constant dense<0.000000e+00> : vector<512x32x32xf32>
    %dot_general3A_49 = tpu.matmul %convert_element_type3A_47, %convert_element_type3A_47, %dot_general3A_48 {dimension_numbers = #tpu.dot_dimension_numbers<[2], [2], [1], [1], [0, 0, 0, 1, 1, 1], [0], [0]>, transpose_lhs_hint = false} : vector<512x32x128xbf16>, vector<512x32x128xbf16>, vector<512x32x32xf32> -> vector<512x32x32xf32>
    %reshape3A_50 = vector.shape_cast %dot_general3A_49 : vector<512x32x32xf32> to vector<512x1024xf32>
    %get3A_51 = arith.constant 0 : index
    %get3A_52 = arith.constant 0 : index
    %get3A_53 = vector.load %arg9[%get3A_51, %get3A_52] : memref<128x1024xbf16, #tpu.memory_space<vmem>>, vector<128x1024xbf16>
    %convert_element_type3A_54 = arith.truncf %max3A_39 : vector<512x128xf32> to vector<512x128xbf16>
    %dot_general3A_55 = arith.constant dense<0.000000e+00> : vector<512x1024xf32>
    %dot_general3A_56 = tpu.matmul %convert_element_type3A_54, %get3A_53, %dot_general3A_55 {dimension_numbers = #tpu.dot_dimension_numbers<[1], [0], [0], [1], [0, 0, 1, 1], [], []>, transpose_lhs_hint = false} : vector<512x128xbf16>, vector<128x1024xbf16>, vector<512x1024xf32> -> vector<512x1024xf32>
    %get3A_57 = arith.constant 0 : index
    %get3A_58 = arith.constant 0 : index
    %get3A_59 = vector.load %arg10[%get3A_57, %get3A_58] : memref<1024x1024xbf16, #tpu.memory_space<vmem>>, vector<1024x1024xbf16>
    %convert_element_type3A_60 = arith.truncf %reshape3A_50 : vector<512x1024xf32> to vector<512x1024xbf16>
    %dot_general3A_61 = arith.constant dense<0.000000e+00> : vector<512x1024xf32>
    %dot_general3A_62 = tpu.matmul %convert_element_type3A_60, %get3A_59, %dot_general3A_61 {dimension_numbers = #tpu.dot_dimension_numbers<[1], [0], [0], [1], [0, 0, 1, 1], [], []>, transpose_lhs_hint = false} : vector<512x1024xbf16>, vector<1024x1024xbf16>, vector<512x1024xf32> -> vector<512x1024xf32>
    %add3A_63 = arith.addf %dot_general3A_56, %dot_general3A_62 : vector<512x1024xf32>
    %get3A_64 = arith.constant 0 : index
    %get3A_65 = arith.constant 0 : index
    %get3A_66 = vector.load %arg11[%get3A_64, %get3A_65] : memref<1x1024xf32, #tpu.memory_space<vmem>>, vector<1x1024xf32>
    %add3A_67 = vector.broadcast %get3A_66 : vector<1x1024xf32> to vector<512x1024xf32>
    %add3A_68 = arith.addf %add3A_63, %add3A_67 : vector<512x1024xf32>
    %max3A_69 = arith.constant 0.000000e+00 : f32
    %max3A_70 = vector.broadcast %max3A_69 : f32 to vector<512x1024xf32>
    %max3A_71 = arith.maximumf %add3A_68, %max3A_70 : vector<512x1024xf32>
    %get3A_72 = arith.constant 0 : index
    %get3A_73 = arith.constant 0 : index
    %get3A_74 = vector.load %arg12[%get3A_72, %get3A_73] : memref<1024x1024xbf16, #tpu.memory_space<vmem>>, vector<1024x1024xbf16>
    %convert_element_type3A_75 = arith.truncf %max3A_71 : vector<512x1024xf32> to vector<512x1024xbf16>
    %dot_general3A_76 = arith.constant dense<0.000000e+00> : vector<512x1024xf32>
    %dot_general3A_77 = tpu.matmul %convert_element_type3A_75, %get3A_74, %dot_general3A_76 {dimension_numbers = #tpu.dot_dimension_numbers<[1], [0], [0], [1], [0, 0, 1, 1], [], []>, transpose_lhs_hint = false} : vector<512x1024xbf16>, vector<1024x1024xbf16>, vector<512x1024xf32> -> vector<512x1024xf32>
    %get3A_78 = arith.constant 0 : index
    %get3A_79 = arith.constant 0 : index
    %get3A_80 = vector.load %arg13[%get3A_78, %get3A_79] : memref<1x1024xf32, #tpu.memory_space<vmem>>, vector<1x1024xf32>
    %add3A_81 = vector.broadcast %get3A_80 : vector<1x1024xf32> to vector<512x1024xf32>
    %add3A_82 = arith.addf %dot_general3A_77, %add3A_81 : vector<512x1024xf32>
    %max3A_83 = arith.constant 0.000000e+00 : f32
    %max3A_84 = vector.broadcast %max3A_83 : f32 to vector<512x1024xf32>
    %max3A_85 = arith.maximumf %add3A_82, %max3A_84 : vector<512x1024xf32>
    %get3A_86 = arith.constant 0 : index
    %get3A_87 = arith.constant 0 : index
    %get3A_88 = vector.load %arg14[%get3A_86, %get3A_87] : memref<1024x512xbf16, #tpu.memory_space<vmem>>, vector<1024x512xbf16>
    %convert_element_type3A_89 = arith.truncf %max3A_85 : vector<512x1024xf32> to vector<512x1024xbf16>
    %dot_general3A_90 = arith.constant dense<0.000000e+00> : vector<512x512xf32>
    %dot_general3A_91 = tpu.matmul %convert_element_type3A_89, %get3A_88, %dot_general3A_90 {dimension_numbers = #tpu.dot_dimension_numbers<[1], [0], [0], [1], [0, 0, 1, 1], [], []>, transpose_lhs_hint = false} : vector<512x1024xbf16>, vector<1024x512xbf16>, vector<512x512xf32> -> vector<512x512xf32>
    %get3A_92 = arith.constant 0 : index
    %get3A_93 = arith.constant 0 : index
    %get3A_94 = vector.load %arg15[%get3A_92, %get3A_93] : memref<1x512xf32, #tpu.memory_space<vmem>>, vector<1x512xf32>
    %add3A_95 = vector.broadcast %get3A_94 : vector<1x512xf32> to vector<512x512xf32>
    %add3A_96 = arith.addf %dot_general3A_91, %add3A_95 : vector<512x512xf32>
    %max3A_97 = arith.constant 0.000000e+00 : f32
    %max3A_98 = vector.broadcast %max3A_97 : f32 to vector<512x512xf32>
    %max3A_99 = arith.maximumf %add3A_96, %max3A_98 : vector<512x512xf32>
    %get3A_100 = arith.constant 0 : index
    %get3A_101 = arith.constant 0 : index
    %get3A_102 = vector.load %arg16[%get3A_100, %get3A_101] : memref<512x256xbf16, #tpu.memory_space<vmem>>, vector<512x256xbf16>
    %convert_element_type3A_103 = arith.truncf %max3A_99 : vector<512x512xf32> to vector<512x512xbf16>
    %dot_general3A_104 = arith.constant dense<0.000000e+00> : vector<512x256xf32>
    %dot_general3A_105 = tpu.matmul %convert_element_type3A_103, %get3A_102, %dot_general3A_104 {dimension_numbers = #tpu.dot_dimension_numbers<[1], [0], [0], [1], [0, 0, 1, 1], [], []>, transpose_lhs_hint = false} : vector<512x512xbf16>, vector<512x256xbf16>, vector<512x256xf32> -> vector<512x256xf32>
    %get3A_106 = arith.constant 0 : index
    %get3A_107 = arith.constant 0 : index
    %get3A_108 = vector.load %arg17[%get3A_106, %get3A_107] : memref<1x256xf32, #tpu.memory_space<vmem>>, vector<1x256xf32>
    %add3A_109 = vector.broadcast %get3A_108 : vector<1x256xf32> to vector<512x256xf32>
    %add3A_110 = arith.addf %dot_general3A_105, %add3A_109 : vector<512x256xf32>
    %max3A_111 = arith.constant 0.000000e+00 : f32
    %max3A_112 = vector.broadcast %max3A_111 : f32 to vector<512x256xf32>
    %max3A_113 = arith.maximumf %add3A_110, %max3A_112 : vector<512x256xf32>
    %get3A_114 = arith.constant 0 : index
    %get3A_115 = arith.constant 0 : index
    %get3A_116 = vector.load %arg18[%get3A_114, %get3A_115] : memref<256x1xbf16, #tpu.memory_space<vmem>>, vector<256x1xbf16>
    %convert_element_type3A_117 = arith.truncf %max3A_113 : vector<512x256xf32> to vector<512x256xbf16>
    %dot_general3A_118 = arith.constant dense<0.000000e+00> : vector<512x1xf32>
    %dot_general3A_119 = tpu.matmul %convert_element_type3A_117, %get3A_116, %dot_general3A_118 {dimension_numbers = #tpu.dot_dimension_numbers<[1], [0], [0], [1], [0, 0, 1, 1], [], []>, transpose_lhs_hint = false} : vector<512x256xbf16>, vector<256x1xbf16>, vector<512x1xf32> -> vector<512x1xf32>
    %get3A_120 = arith.constant 0 : index
    %get3A_121 = arith.constant 0 : index
    %get3A_122 = vector.load %arg19[%get3A_120, %get3A_121] : memref<1x1xf32, #tpu.memory_space<vmem>>, vector<1x1xf32>
    %add3A_123 = vector.broadcast %get3A_122 : vector<1x1xf32> to vector<512x1xf32>
    %add3A_124 = arith.addf %dot_general3A_119, %add3A_123 : vector<512x1xf32>
    %swap3A = arith.constant 0 : index
    %swap3A_125 = arith.constant 0 : index
    %swap3A_126 = vector.load %arg20[%swap3A, %swap3A_125] : memref<512x1xf32, #tpu.memory_space<vmem>>, vector<512x1xf32>
    tpu.vector_store %arg20[%swap3A, %swap3A_125], %add3A_124 {strides = array<i32>} : memref<512x1xf32, #tpu.memory_space<vmem>>, vector<512x1xf32>,
    return
  }
  func.func @transform_0(%arg0: i32) -> (i32, i32) {
    %c0_i32 = arith.constant 0 : i32
    %c0_i32_0 = arith.constant 0 : i32
    return %arg0, %c0_i32 : i32, i32
  }
  func.func @transform_1(%arg0: i32) -> (i32, i32) {
    %c0_i32 = arith.constant 0 : i32
    %c0_i32_0 = arith.constant 0 : i32
    return %arg0, %c0_i32 : i32, i32
  }
  func.func @transform_2(%arg0: i32) -> (i32, i32) {
    %c0_i32 = arith.constant 0 : i32
    %c0_i32_0 = arith.constant 0 : i32
    %c0_i32_1 = arith.constant 0 : i32
    return %c0_i32, %c0_i32_0 : i32, i32
  }
  func.func @transform_3(%arg0: i32) -> (i32, i32) {
    %c0_i32 = arith.constant 0 : i32
    %c0_i32_0 = arith.constant 0 : i32
    %c0_i32_1 = arith.constant 0 : i32
    return %c0_i32, %c0_i32_0 : i32, i32
  }
  func.func @transform_4(%arg0: i32) -> (i32, i32) {
    %c0_i32 = arith.constant 0 : i32
    %c0_i32_0 = arith.constant 0 : i32
    %c0_i32_1 = arith.constant 0 : i32
    return %c0_i32, %c0_i32_0 : i32, i32
  }
  func.func @transform_5(%arg0: i32) -> (i32, i32) {
    %c0_i32 = arith.constant 0 : i32
    %c0_i32_0 = arith.constant 0 : i32
    %c0_i32_1 = arith.constant 0 : i32
    return %c0_i32, %c0_i32_0 : i32, i32
  }
  func.func @transform_6(%arg0: i32) -> (i32, i32) {
    %c0_i32 = arith.constant 0 : i32
    %c0_i32_0 = arith.constant 0 : i32
    %c0_i32_1 = arith.constant 0 : i32
    return %c0_i32, %c0_i32_0 : i32, i32
  }
  func.func @transform_7(%arg0: i32) -> (i32, i32) {
    %c0_i32 = arith.constant 0 : i32
    %c0_i32_0 = arith.constant 0 : i32
    %c0_i32_1 = arith.constant 0 : i32
    return %c0_i32, %c0_i32_0 : i32, i32
  }
  func.func @transform_8(%arg0: i32) -> (i32, i32) {
    %c0_i32 = arith.constant 0 : i32
    %c0_i32_0 = arith.constant 0 : i32
    %c0_i32_1 = arith.constant 0 : i32
    return %c0_i32, %c0_i32_0 : i32, i32
  }
  func.func @transform_9(%arg0: i32) -> (i32, i32) {
    %c0_i32 = arith.constant 0 : i32
    %c0_i32_0 = arith.constant 0 : i32
    %c0_i32_1 = arith.constant 0 : i32
    return %c0_i32, %c0_i32_0 : i32, i32
  }
  func.func @transform_10(%arg0: i32) -> (i32, i32) {
    %c0_i32 = arith.constant 0 : i32
    %c0_i32_0 = arith.constant 0 : i32
    %c0_i32_1 = arith.constant 0 : i32
    return %c0_i32, %c0_i32_0 : i32, i32
  }
  func.func @transform_11(%arg0: i32) -> (i32, i32) {
    %c0_i32 = arith.constant 0 : i32
    %c0_i32_0 = arith.constant 0 : i32
    %c0_i32_1 = arith.constant 0 : i32
    return %c0_i32, %c0_i32_0 : i32, i32
  }
  func.func @transform_12(%arg0: i32) -> (i32, i32) {
    %c0_i32 = arith.constant 0 : i32
    %c0_i32_0 = arith.constant 0 : i32
    %c0_i32_1 = arith.constant 0 : i32
    return %c0_i32, %c0_i32_0 : i32, i32
  }
  func.func @transform_13(%arg0: i32) -> (i32, i32) {
    %c0_i32 = arith.constant 0 : i32
    %c0_i32_0 = arith.constant 0 : i32
    %c0_i32_1 = arith.constant 0 : i32
    return %c0_i32, %c0_i32_0 : i32, i32
  }
  func.func @transform_14(%arg0: i32) -> (i32, i32) {
    %c0_i32 = arith.constant 0 : i32
    %c0_i32_0 = arith.constant 0 : i32
    %c0_i32_1 = arith.constant 0 : i32
    return %c0_i32, %c0_i32_0 : i32, i32
  }
  func.func @transform_15(%arg0: i32) -> (i32, i32) {
    %c0_i32 = arith.constant 0 : i32
    %c0_i32_0 = arith.constant 0 : i32
    %c0_i32_1 = arith.constant 0 : i32
    return %c0_i32, %c0_i32_0 : i32, i32
  }
  func.func @transform_16(%arg0: i32) -> (i32, i32) {
    %c0_i32 = arith.constant 0 : i32
    %c0_i32_0 = arith.constant 0 : i32
    %c0_i32_1 = arith.constant 0 : i32
    return %c0_i32, %c0_i32_0 : i32, i32
  }
  func.func @transform_17(%arg0: i32) -> (i32, i32) {
    %c0_i32 = arith.constant 0 : i32
    %c0_i32_0 = arith.constant 0 : i32
    %c0_i32_1 = arith.constant 0 : i32
    return %c0_i32, %c0_i32_0 : i32, i32
  }
  func.func @transform_18(%arg0: i32) -> (i32, i32) {
    %c0_i32 = arith.constant 0 : i32
    %c0_i32_0 = arith.constant 0 : i32
    %c0_i32_1 = arith.constant 0 : i32
    return %c0_i32, %c0_i32_0 : i32, i32
  }
  func.func @transform_19(%arg0: i32) -> (i32, i32) {
    %c0_i32 = arith.constant 0 : i32
    %c0_i32_0 = arith.constant 0 : i32
    return %arg0, %c0_i32 : i32, i32
  }
}

</mosaic_0001>

<sc_bundles>
// kernel: kernel.6.cloned.1.call-start
scs
__scs_entry_jumppad:
0x0: {  	(pc) =	sbr.rel $0x88, $3  }
0x1: {  	(tag) =	ssettag $0x0;
	lr =	simm.s32 $0x1  }
0x2: {  	[smem:$0x3F8F] =	sst lr;
	_ =	strace $0xD0000000  }
0x3: {  	_ = 	snop  }
0x4: {  	_ = 	snop  }
0x5: {  	_ = 	snop  }
0x6: {  	_ = 	snop  }
0x7: {  	_ = 	snop  }
__scs_overlays_trampoline_lowered:
0x8: {  	[smem:$0x3F9E] =	sst s0  }
0x9: {  	[smem:$0x3F9F] =	sst s1  }
0xa: {  	[smem:$0x3FA0] =	sst s2  }
0xb: {  	[smem:$0x3FA1] =	sst s3  }
0xc: {  	[smem:$0x3FA2] =	sst s4  }
0xd: {  	[smem:$0x3FA3] =	sst s5  }
0xe: {  	[smem:$0x3FA4] =	sst s6  }
0xf: {  	[smem:$0x3FA5] =	sst s7  }
0x10: {  	[smem:$0x3FA6] =	sst s8  }
0x11: {  	[smem:$0x3FA7] =	sst s9;
	s0 =	simm.s32 @!p0 $0x0  }
0x12: {  	s1 =	sld [smem:$0x3F8D];
	s0 =	simm.s32 @p0 $0x1  }
0x13: {  	[smem:$0x3FA8] =	sst s0;
	s0 =	simm.s32 @!p1 $0x0  }
0x14: {  	s2 =	sld [smem:$0x3F8C];
	s0 =	simm.s32 @p1 $0x1  }
0x15: {  	[smem:$0x3FA9] =	sst s0;
	s0 =	simm.s32 @!p2 $0x0  }
0x16: {  	s3 =	sld [smem:$0x3FDB];
	s0 =	simm.s32 @p2 $0x1  }
0x17: {  	s4 =	simm.s32 $0x1BF5;
	[smem:$0x3FAB] =	sst s0  }
0x18: {  	s0 =	sld [smem:$0x3F8E];
	_ =	swait.ge [sflag:s4], $0x0  }
0x19: {  	s7 =	sld [smem:$0x3F8F]  }
0x1a: {  	s8 =	sadd.s32 $0xFFFFE003, lr  }
0x1b: {  	s9 =	sadd.s32 $0xFFFFFEF7, lr;
	s5 =	simm.s32 $0xFFFFFFFF;
	p2 =	slt.u32 s8, $0xFFFFF086  }
0x1c: {  	p1 =	slt.u32 s9, $0xF7A;
	s5 =	simm.s32 @!p2 $0x0  }
0x1d: {  	s5 =	simm.s32 @p1 $0x1;
	p0 =	seq.s32 s7, s2  }
0x1e: {  	s7 =	smul.u32 @!p0 $0xF7A, s2;
	p2 =	seq.s32 @!p0 s5, $0x0  }
0x1f: {  	s9 =	smul.u32 $0xF7A, s1;
	s8 =	simm.s32 @!p0 $0x1BF5;
	p2 =	por !p2, p0  }
0x20: {  	[sflag:s8] =	ssyncset.s32 @!p0 $0xFFFFF086;
	s6 =	sadd.s32 @!p0 s3, s7;
	s7 =	simm.s32 @!p0 $0x108  }
0x21: {  	s3 =	sadd.s32 s3, s9;
	s6 =	sadd.s32 @!p0 $0x88, s6;
	s7 =	simm.s32 @p2 $0x1082  }
0x22: {  	[simem:s7], [sflag:s8] =	dma.local @!p0 [hbm:s6], $0xF7A  }
0x23: {  	s9 =	sor.u32 $0xD0000000, s2;
	s6 =	simm.s32 $0x108;
	_ =	swait.ge @!p0 [sflag:s8], $0x0  }
0x24: {  	s3 =	sadd.s32 $0x88, s3;
	s6 =	simm.s32 @!p1 $0x1082;
	[sflag:s4] =	ssyncset.s32 $0xFFFFF086  }
0x25: {  	[simem:s6], [sflag:s4] =	dma.local [hbm:s3], $0xF7A  }
0x26: {  	[smem:$0x3F8F] =	sst s1;
	(tag) =	ssettag s2;
	_ =	strace s9  }
0x27: {  	s1 =	sld [smem:$0x3F9F]  }
0x28: {  	s2 =	sld [smem:$0x3FA0]  }
0x29: {  	s4 =	sld [smem:$0x3FA2]  }
0x2a: {  	p0 =	seq.s32 s5, $0x0;
	s5 =	sld [smem:$0x3FA3]  }
0x2b: {  	s6 =	sld [smem:$0x3FA4]  }
0x2c: {  	s7 =	sld [smem:$0x3FA5]  }
0x2d: {  	s3 =	simm.s32 $0x108;
	s8 =	sld [smem:$0x3FA6]  }
0x2e: {  	s3 =	simm.s32 @!p0 $0x1082;
	s9 =	sld [smem:$0x3FA7]  }
0x2f: {  	lr =	sadd.s32 s0, s3;
	s0 =	sld [smem:$0x3F9E]  }
0x30: {  	s3 =	sld [smem:$0x3FA1]  }
0x31: {  	[smem:$0x3FAA] =	sst s10  }
0x32: {  	s10 =	sld [smem:$0x3FA8];
	_ =	sdelay $0x3  }
0x33: {  	p0 =	seq.s32 s10, $0x1;
	s10 =	sld [smem:$0x3FAA];
	_ =	sdelay $0x3  }
0x34: {  	[smem:$0x3FAA] =	sst s10  }
0x35: {  	s10 =	sld [smem:$0x3FA9];
	_ =	sdelay $0x3  }
0x36: {  	p1 =	seq.s32 s10, $0x1;
	s10 =	sld [smem:$0x3FAA];
	_ =	sdelay $0x3  }
0x37: {  	[smem:$0x3FAA] =	sst s10  }
0x38: {  	s10 =	sld [smem:$0x3FAB]  }
0x39: {  	_ = 	snop;
	(pc) =	sbr.ind lr, $3  }
0x3a: {  	_ = 	snop  }
0x3b: {  	_ = 	snop  }
0x3c: {  	p2 =	seq.s32 s10, $0x1;
	s10 =	sld [smem:$0x3FAA]  }
0x3d: {  	_ =	shalt  }
0x3e: {  	_ =	shalt  }
0x3f: {  	_ =	shalt  }
0x40: {  	_ =	shalt  }
0x41: {  	_ =	shalt  }
0x42: {  	_ =	shalt  }
0x43: {  	_ =	shalt  }
0x44: {  	_ =	shalt  }
0x45: {  	_ =	shalt  }
0x46: {  	_ =	shalt  }
0x47: {  	_ =	shalt  }
0x48: {  	_ =	shalt  }
0x49: {  	_ =	shalt  }
0x4a: {  	_ =	shalt  }
0x4b: {  	_ =	shalt  }
0x4c: {  	_ =	shalt  }
0x4d: {  	_ =	shalt  }
0x4e: {  	_ =	shalt  }
0x4f: {  	_ =	shalt  }
0x50: {  	_ =	shalt  }
0x51: {  	_ =	shalt  }
0x52: {  	_ =	shalt  }
0x53: {  	_ =	shalt  }
0x54: {  	_ =	shalt  }
0x55: {  	_ =	shalt  }
0x56: {  	_ =	shalt  }
0x57: {  	_ =	shalt  }
0x58: {  	_ =	shalt  }
0x59: {  	_ =	shalt  }
0x5a: {  	_ =	shalt  }
0x5b: {  	_ =	shalt  }
0x5c: {  	_ =	shalt  }
0x5d: {  	_ =	shalt  }
0x5e: {  	_ =	shalt  }
0x5f: {  	_ =	shalt  }
0x60: {  	_ =	shalt  }
0x61: {  	_ =	shalt  }
0x62: {  	_ =	shalt  }
0x63: {  	_ =	shalt  }
0x64: {  	_ =	shalt  }
0x65: {  	_ =	shalt  }
0x66: {  	_ =	shalt  }
0x67: {  	_ =	shalt  }
0x68: {  	_ =	shalt  }
0x69: {  	_ =	shalt  }
0x6a: {  	_ =	shalt  }
0x6b: {  	_ =	shalt  }
0x6c: {  	_ =	shalt  }
0x6d: {  	_ =	shalt  }
0x6e: {  	_ =	shalt  }
0x6f: {  	_ =	shalt  }
0x70: {  	_ =	shalt  }
0x71: {  	_ =	shalt  }
0x72: {  	_ =	shalt  }
0x73: {  	_ =	shalt  }
0x74: {  	_ =	shalt  }
0x75: {  	_ =	shalt  }
0x76: {  	_ =	shalt  }
0x77: {  	_ =	shalt  }
0x78: {  	_ =	shalt  }
0x79: {  	_ =	shalt  }
0x7a: {  	_ =	shalt  }
0x7b: {  	_ =	shalt  }
0x7c: {  	_ =	shalt  }
0x7d: {  	_ =	shalt  }
0x7e: {  	_ =	shalt  }
0x7f: {  	_ =	shalt  }
0x80: {  	_ =	shalt  }
0x81: {  	_ =	shalt  }
0x82: {  	_ =	shalt  }
0x83: {  	_ =	shalt  }
0x84: {  	_ =	shalt  }
0x85: {  	_ =	shalt  }
0x86: {  	_ =	shalt  }
0x87: {  	_ =	shalt  }
.Lfunc_end0:
.L_simem_size_0:
called_computation_lowered:
.L_overlay_start_0:
0x88: {  	s2 =	sld [smem:$0x3FD9]  }
0x89: {  	s3 =	sld [smem:$0x3FFE];
	_ =	sdelay $0x1  }
0x8a: {  	s1 =	srdreg.scid  }
0x8b: {  	s0 =	sand.u32 $0x1, s1  }
0x8c: {  	s17 =	sshll.u32 s0, $0xA;
	s2 =	sadd.s32 s3, s2  }
0x8d: {  	s2 =	sadd.s32 s2, s17  }
0x8e: {  	[smem:$0x3FB6] =	sst s2  }
0x8f: {  	_ = 	snop  }
0x90: {  	s18 =	sld [smem:$0x3FC8];
	(tm) =	ssettm $0x1  }
0x91: {  	s19 =	sld [smem:$0x3FFB];
	_ =	sdelay $0x3  }
0x92: {  	_ =	strace s19  }
0x93: {  	s2 =	sld [smem:$0x3FFC];
	_ =	sdelay $0x3  }
0x94: {  	_ =	strace s2  }
0x95: {  	s2 =	sld [smem:$0x3FFD];
	_ =	sdelay $0x3  }
0x96: {  	_ =	strace s2  }
0x97: {  	_ =	strace $0x8FFFFFFF  }
0x98: {  	s20 =	sld [smem:$0x3FDB];
	_ =	sdelay $0x1  }
0x99: {  	s4 =	simm.s32 $_scs_section_size  }
0x9a: {  	s5 =	simm.s32 $_size__tile_overlayer_lowered;
	s6 =	simm.s32 $_tile_overlayer_lowered  }
0x9b: {  	s7 =	simm.s32 $0x1BFF;
	s21 =	sshll.u32 s6, $0x1;
	s4 =	sadd.s32 s4, s20  }
0x9c: {  	s22 =	simm.s32 $0x0;
	s5 =	sshll.u32 s5, $0x1;
	s6 =	sadd.s32 s21, s4  }
0x9d: {  	[timem:s22], [sflag:s7] =	dma.local [hbm:s6], s5  }
0x9e: {  	_ =	swait.ge [sflag:s7], s5  }
0x9f: {  	s5 =	ssub.s32 $0x0, s5;
	[sflag:s7] =	ssyncset.done $0x0  }
0xa0: {  	[sflag:s7] =	ssyncadd.s32 s5;
	_ =	sdelay $0x1  }
0xa1: {  	s23 =	simm.s32 $0x1B8B  }
0xa2: {  	_ =	swait.ge [sflag:s23], $0x1  }
0xa3: {  	[sflag:s23] =	ssyncset.done $0x0  }
0xa4: {  	[sflag:s23] =	ssyncadd.s32 $0xFFFFFFFF  }
0xa5: {  	s5 =	sld [smem:$0x0]  }
0xa6: {  	s6 =	sand.u32 $0xFFFFFFFE, s1  }
0xa7: {  	p0 =	sne.s32 s1, s6  }
0xa8: {  	s6 =	sshll.u32 @p0 s6, $0xE  }
0xa9: {  	s6 =	sadd.s32 @p0 $0x11B8D, s6;
	s7 =	sshll.u32 @p0 s5, $0x11  }
0xaa: {  	s6 =	sor.u32 @p0 s7, s6  }
0xab: {  	[sflag:s6] =	ssyncadd.remote.s32 @p0 $0x1;
	_ =	sdelay $0x1  }
0xac: {  	s6 =	simm.s32 @p0 $0x1B8D  }
0xad: {  	_ =	swait.eq @p0 [sflag:s6], $0x1  }
0xae: {  	[sflag:s6] =	ssyncadd.s32 @p0 $0xFFFFFFFF  }
0xaf: {  	s7 =	sshll.u32 @!p0 s1, $0xE  }
0xb0: {  	s7 =	sor.u32 @!p0 $0x4000, s7;
	s6 =	simm.s32 @!p0 $0x1B8D  }
0xb1: {  	s5 =	sshll.u32 @!p0 s5, $0x11;
	s7 =	sadd.s32 @!p0 $0x11B8D, s7;
	_ =	swait.eq @!p0 [sflag:s6], $0x1  }
0xb2: {  	s5 =	sor.u32 @!p0 s5, s7;
	[sflag:s6] =	ssyncadd.s32 @!p0 $0xFFFFFFFF  }
0xb3: {  	s25 =	simm.s32 $0x1B8E;
	s24 =	sld [smem:$0x3FFE];
	[sflag:s5] =	ssyncadd.remote.s32 @!p0 $0x1  }
0xb4: {  	s26 =	simm.s32 $execute0_lowered;
	[smem:$0x3FD2] =	sst s25  }
0xb5: {  	s6 =	sshll.u32 s26, $0x1;
	_ =	strace $0x80000049;
	[dreg:$0x1] =	wrdreg $0xFFFFFFFF  }
0xb6: {  	s28 =	simm.s32 $_size_execute0_lowered;
	s4 =	sadd.s32 s4, s6;
	[dreg:$0x0] =	wrdreg $0x0  }
0xb7: {  	s6 =	sshll.u32 s28, $0x1;
	[dreg:$0x2] =	wrdreg s4  }
0xb8: {  	[dreg:$0x3] =	wrdreg s6  }
0xb9: {  	[dreg:$0x4] =	wrdreg $0xC0  }
0xba: {  	_ =	task [dreg:s22], $0x5FFFF  }
0xbb: {  	[dreg:$0x1] =	wrdreg $0xFFFFFFFF  }
0xbc: {  	[dreg:$0x0] =	wrdreg $0x60  }
0xbd: {  	[dreg:$0x2] =	wrdreg s18  }
0xbe: {  	[dreg:$0x3] =	wrdreg s24  }
0xbf: {  	[dreg:$0x4] =	wrdreg $0x9  }
0xc0: {  	_ =	task.clear_ibuf [dreg:s22], $0x5FFFF;
	_ =	strace $0x90000049  }
0xc1: {  	s29 =	simm.s32 $0x9;
	_ =	strace $0x8000004B  }
0xc2: {  	_ =	swait.ge [sflag:s29], $0x1  }
0xc3: {  	[sflag:s29] =	ssyncadd.s32 $0xFFFFFFFF  }
0xc4: {  	_ =	strace $0x9000004B  }
0xc5: {  	_ =	sfence  }
0xc6: {  	s30 =	sld [smem:$0x0];
	_ =	sdelay $0x2  }
0xc7: {  	s31 =	sshll.u32 s1, $0xD;
	s1 =	sshrl.u32 s1, $0x2  }
0xc8: {  	s4 =	sand.u32 $0x4000, s31;
	s1 =	sadd.s32 s1, s30  }
0xc9: {  	s0 =	sor.u32 s4, s0;
	s1 =	sshll.u32 s1, $0x11  }
0xca: {  	s0 =	sor.u32 s1, s0  }
0xcb: {  	s0 =	sadd.s32 $0x8F2B, s0  }
0xcc: {  	[sflag:s0] =	ssyncadd.remote.s32 $0x1  }
0xcd: {  	_ =	sfence.sel $0xFFFF  }
0xce: {  	[dreg:$0x0] =	wrdreg $0xFFFFFFFF;
	(pc) =	sbr.abs _section_cstart, $3  }
0xcf: {  	[dreg:$0x1] =	wrdreg $0xFFFFFFFF  }
0xd0: {  	_ =	task.clear_ibuf [dreg:s22], $0x2FFFF;
	_ =	strace $0x9FFFFFFF  }
0xd1: {  	(tm) =	ssettm $0x7FFFFFFF  }
tec
execute0_lowered:
.L_overlay_start_1:
0x0: {  	(tag) =	ssettag $0x1  }
0x1: {  	s1 =	srdreg.scid  }
0x2: {  	s0 =	stileid.u32;
	s31 =	sand.u32 $0x1, s1  }
0x3: {  	s26 =	sshll.u32 s0, $0xC;
	s3 =	sshll.u32 s31, $0xB  }
0x4: {  	s2 =	rddreg [dreg:$0x0];
	s11 =	sor.u32 s3, s26  }
0x5: {  	s10 =	rddreg [dreg:$0x1];
	s3 =	simm.s32 $0x0;
	s4 =	sshrl.u32 s11, $0x3  }
0x6: {  	[smem:$0x7FF] =	sst s3;
	s4 =	sadd.s32 s4, s10  }
0x7: {  	s5 =	simm.s32 $0x7;
	_ =	strace $0x8000004A;
	s4 =	sadd.s32 $0x104600, s4  }
0x8: {  	[tilespmem:s3], [sflag:$0x7] =	stream.linear.gather [hbm4b:s4+s3], $0x800, $0x38;
	[tilespmem:$0x18800] =	vst v63  }
0x9: {  	_ =	swait.ge [sflag:s5], $0x800  }
0xa: {  	[sflag:s5] =	ssyncset.done $0x0  }
0xb: {  	s6 =	simm.s32 $0x100;
	s7 =	simm.s32 $0x800;
	[sflag:s5] =	ssyncadd.s32 $0xFFFFF800  }
0xc: {  	[tilespmem:s7], [sflag:$0x1] =	stream.indirect.gather [hbm4b:s2+s6], $0x80, s3, s6, $0xb8;
	[tilespmem:$0x18800] =	vst v63  }
0xd: {  	s8 =	simm.s32 $0x8800;
	s9 =	simm.s32 $0x1  }
0xe: {  	[tilespmem:s8], [sflag:$0x2] =	stream.indirect.gather [hbm4b:s2+s6], $0x80, s6, s6, $0xb8;
	[tilespmem:$0x18800] =	vst v63  }
0xf: {  	s11 =	sshll.u32 s11, $0x4;
	_ =	swait.ge [sflag:s9], $0x8000  }
0x10: {  	s30 =	sadd.s32 s11, s10;
	[sflag:s9] =	ssyncset.done $0x0  }
0x11: {  	s10 =	sadd.s32 $0x106600, s30;
	[sflag:s9] =	ssyncadd.s32 $0xFFFF8000  }
0x12: {  	[hbm4b:s10+s3] =	stream.linear.scatter [tilespmem:s7], [sflag:$0x4], $0x8000, $0x38;
	[tilespmem:$0x18800] =	vst v63  }
0x13: {  	s12 =	simm.s32 $0x10800;
	s13 =	simm.s32 $0x2;
	s11 =	simm.s32 $0x200  }
0x14: {  	[tilespmem:s12], [sflag:$0x3] =	stream.indirect.gather [hbm4b:s2+s6], $0x80, s11, s6, $0xb8;
	[tilespmem:$0x18800] =	vst v63  }
0x15: {  	_ =	swait.ge [sflag:s13], $0x8000  }
0x16: {  	[sflag:s13] =	ssyncset.done $0x0  }
0x17: {  	s15 =	simm.s32 $0x4;
	s14 =	sadd.s32 $0x107600, s30;
	[sflag:s13] =	ssyncadd.s32 $0xFFFF8000  }
0x18: {  	[hbm4b:s14+s3] =	stream.linear.scatter [tilespmem:s8], [sflag:$0x5], $0x8000, $0x38;
	[tilespmem:$0x18800] =	vst v63  }
0x19: {  	_ =	swait.ge [sflag:s15], $0x8000  }
0x1a: {  	[sflag:s15] =	ssyncset.done $0x0  }
0x1b: {  	s16 =	simm.s32 $0x300;
	s17 =	simm.s32 $0x3;
	[sflag:s15] =	ssyncadd.s32 $0xFFFF8000  }
0x1c: {  	[tilespmem:s7], [sflag:$0x1] =	stream.indirect.gather [hbm4b:s2+s6], $0x80, s16, s6, $0xb8;
	[tilespmem:$0x18800] =	vst v63  }
0x1d: {  	_ =	swait.ge [sflag:s17], $0x8000  }
0x1e: {  	[sflag:s17] =	ssyncset.done $0x0  }
0x1f: {  	s18 =	simm.s32 $0x5;
	s19 =	sadd.s32 $0x108600, s30;
	[sflag:s17] =	ssyncadd.s32 $0xFFFF8000  }
0x20: {  	[hbm4b:s19+s3] =	stream.linear.scatter [tilespmem:s12], [sflag:$0x6], $0x8000, $0x38;
	[tilespmem:$0x18800] =	vst v63  }
0x21: {  	_ =	swait.ge [sflag:s18], $0x8000  }
0x22: {  	[sflag:s18] =	ssyncset.done $0x0  }
0x23: {  	s20 =	simm.s32 $0x400;
	[sflag:s18] =	ssyncadd.s32 $0xFFFF8000  }
0x24: {  	[tilespmem:s8], [sflag:$0x2] =	stream.indirect.gather [hbm4b:s2+s6], $0x80, s20, s6, $0xb8;
	[tilespmem:$0x18800] =	vst v63  }
0x25: {  	_ =	swait.ge [sflag:s9], $0x8000  }
0x26: {  	[sflag:s9] =	ssyncset.done $0x0  }
0x27: {  	s22 =	simm.s32 $0x6;
	s21 =	sadd.s32 $0x109600, s30;
	[sflag:s9] =	ssyncadd.s32 $0xFFFF8000  }
0x28: {  	[hbm4b:s21+s3] =	stream.linear.scatter [tilespmem:s7], [sflag:$0x4], $0x8000, $0x38;
	[tilespmem:$0x18800] =	vst v63  }
0x29: {  	_ =	swait.ge [sflag:s22], $0x8000  }
0x2a: {  	[sflag:s22] =	ssyncset.done $0x0  }
0x2b: {  	s23 =	simm.s32 $0x500;
	[sflag:s22] =	ssyncadd.s32 $0xFFFF8000  }
0x2c: {  	[tilespmem:s12], [sflag:$0x3] =	stream.indirect.gather [hbm4b:s2+s6], $0x80, s23, s6, $0xb8;
	[tilespmem:$0x18800] =	vst v63  }
0x2d: {  	_ =	swait.ge [sflag:s13], $0x8000  }
0x2e: {  	[sflag:s13] =	ssyncset.done $0x0  }
0x2f: {  	s24 =	sadd.s32 $0x10A600, s30;
	[sflag:s13] =	ssyncadd.s32 $0xFFFF8000  }
0x30: {  	[hbm4b:s24+s3] =	stream.linear.scatter [tilespmem:s8], [sflag:$0x5], $0x8000, $0x38;
	[tilespmem:$0x18800] =	vst v63  }
0x31: {  	_ =	swait.ge [sflag:s15], $0x8000  }
0x32: {  	[sflag:s15] =	ssyncset.done $0x0  }
0x33: {  	s25 =	simm.s32 $0x600;
	[sflag:s15] =	ssyncadd.s32 $0xFFFF8000  }
0x34: {  	[tilespmem:s7], [sflag:$0x1] =	stream.indirect.gather [hbm4b:s2+s6], $0x80, s25, s6, $0xb8;
	[tilespmem:$0x18800] =	vst v63  }
0x35: {  	_ =	swait.ge [sflag:s17], $0x8000  }
0x36: {  	[sflag:s17] =	ssyncset.done $0x0  }
0x37: {  	s26 =	sadd.s32 $0x10B600, s30;
	[sflag:s17] =	ssyncadd.s32 $0xFFFF8000  }
0x38: {  	[hbm4b:s26+s3] =	stream.linear.scatter [tilespmem:s12], [sflag:$0x6], $0x8000, $0x38;
	[tilespmem:$0x18800] =	vst v63  }
0x39: {  	_ =	swait.ge [sflag:s18], $0x8000  }
0x3a: {  	[sflag:s18] =	ssyncset.done $0x0  }
0x3b: {  	s28 =	simm.s32 $0x700;
	[sflag:s18] =	ssyncadd.s32 $0xFFFF8000  }
0x3c: {  	[tilespmem:s8], [sflag:$0x2] =	stream.indirect.gather [hbm4b:s2+s6], $0x80, s28, s6, $0xb8;
	[tilespmem:$0x18800] =	vst v63  }
0x3d: {  	_ =	swait.ge [sflag:s9], $0x8000  }
0x3e: {  	[sflag:s9] =	ssyncset.done $0x0  }
0x3f: {  	s29 =	sadd.s32 $0x10C600, s30;
	[sflag:s9] =	ssyncadd.s32 $0xFFFF8000  }
0x40: {  	[hbm4b:s29+s3] =	stream.linear.scatter [tilespmem:s7], [sflag:$0x4], $0x8000, $0x38;
	[tilespmem:$0x18800] =	vst v63  }
0x41: {  	_ =	swait.ge [sflag:s13], $0x8000  }
0x42: {  	s31 =	ssub.s32 $0x2, s31;
	[sflag:s13] =	ssyncset.done $0x0  }
0x43: {  	s1 =	sshrl.u32 s31, $0x1;
	s30 =	sadd.s32 $0x10D600, s30;
	[sflag:s13] =	ssyncadd.s32 $0xFFFF8000  }
0x44: {  	[hbm4b:s30+s3] =	stream.linear.scatter [tilespmem:s8], [sflag:$0x5], $0x8000, $0x38;
	[tilespmem:$0x18800] =	vst v63  }
0x45: {  	s1 =	ssub.s32 s31, s1;
	_ =	swait.ge [sflag:s22], $0x8000  }
0x46: {  	s1 =	smax.u32 s1, $0x1;
	[sflag:s22] =	ssyncset.done $0x0  }
0x47: {  	p0 =	sne.s32 s1, $0x1;
	[sflag:s22] =	ssyncadd.s32 $0xFFFF8000  }
.Ltmp0:
0x48: {  	_ =	swait.ge [sflag:s15], $0x8000;
	(pc) =	sbr.rel @!p0 .LBB2_2-.Ltmp0, $4  }
0x49: {  	[sflag:s15] =	ssyncset.done $0x0  }
0x4a: {  	[sflag:s15] =	ssyncadd.s32 $0xFFFF8000  }
0x4b: {  	_ =	swait.ge [sflag:s18], $0x8000  }
0x4c: {  	s31 =	sadd.s32 $0xFFFFFFFF, s1;
	[sflag:s18] =	ssyncset.done $0x0  }
.LBB2_1:
0x4d: {  	p0 =	sne.s32 s31, $0x1;
	s31 =	sadd.s32 $0xFFFFFFFF, s31;
	[sflag:s18] =	ssyncadd.s32 $0xFFFF8000  }
0x4e: {  	[tilespmem:s3], [sflag:$0x7] =	stream.linear.gather [hbm4b:s4+s3], $0x800, $0x38;
	[tilespmem:$0x18800] =	vst v63  }
0x4f: {  	_ =	swait.ge [sflag:s5], $0x800  }
0x50: {  	[sflag:s5] =	ssyncset.done $0x0  }
0x51: {  	[sflag:s5] =	ssyncadd.s32 $0xFFFFF800  }
0x52: {  	[tilespmem:s7], [sflag:$0x1] =	stream.indirect.gather [hbm4b:s2+s6], $0x80, s3, s6, $0xb8;
	[tilespmem:$0x18800] =	vst v63  }
0x53: {  	_ = 	snop  }
0x54: {  	[tilespmem:s8], [sflag:$0x2] =	stream.indirect.gather [hbm4b:s2+s6], $0x80, s6, s6, $0xb8;
	[tilespmem:$0x18800] =	vst v63  }
0x55: {  	_ =	swait.ge [sflag:s9], $0x8000  }
0x56: {  	[sflag:s9] =	ssyncset.done $0x0  }
0x57: {  	[sflag:s9] =	ssyncadd.s32 $0xFFFF8000  }
0x58: {  	[hbm4b:s10+s3] =	stream.linear.scatter [tilespmem:s7], [sflag:$0x4], $0x8000, $0x38;
	[tilespmem:$0x18800] =	vst v63  }
0x59: {  	_ = 	snop  }
0x5a: {  	[tilespmem:s12], [sflag:$0x3] =	stream.indirect.gather [hbm4b:s2+s6], $0x80, s11, s6, $0xb8;
	[tilespmem:$0x18800] =	vst v63  }
0x5b: {  	_ =	swait.ge [sflag:s13], $0x8000  }
0x5c: {  	[sflag:s13] =	ssyncset.done $0x0  }
0x5d: {  	[sflag:s13] =	ssyncadd.s32 $0xFFFF8000  }
0x5e: {  	[hbm4b:s14+s3] =	stream.linear.scatter [tilespmem:s8], [sflag:$0x5], $0x8000, $0x38;
	[tilespmem:$0x18800] =	vst v63  }
0x5f: {  	_ =	swait.ge [sflag:s15], $0x8000  }
0x60: {  	[sflag:s15] =	ssyncset.done $0x0  }
0x61: {  	[sflag:s15] =	ssyncadd.s32 $0xFFFF8000  }
0x62: {  	[tilespmem:s7], [sflag:$0x1] =	stream.indirect.gather [hbm4b:s2+s6], $0x80, s16, s6, $0xb8;
	[tilespmem:$0x18800] =	vst v63  }
0x63: {  	_ =	swait.ge [sflag:s17], $0x8000  }
0x64: {  	[sflag:s17] =	ssyncset.done $0x0  }
0x65: {  	[sflag:s17] =	ssyncadd.s32 $0xFFFF8000  }
0x66: {  	[hbm4b:s19+s3] =	stream.linear.scatter [tilespmem:s12], [sflag:$0x6], $0x8000, $0x38;
	[tilespmem:$0x18800] =	vst v63  }
0x67: {  	_ =	swait.ge [sflag:s18], $0x8000  }
0x68: {  	[sflag:s18] =	ssyncset.done $0x0  }
0x69: {  	[sflag:s18] =	ssyncadd.s32 $0xFFFF8000  }
0x6a: {  	[tilespmem:s8], [sflag:$0x2] =	stream.indirect.gather [hbm4b:s2+s6], $0x80, s20, s6, $0xb8;
	[tilespmem:$0x18800] =	vst v63  }
0x6b: {  	_ =	swait.ge [sflag:s9], $0x8000  }
0x6c: {  	[sflag:s9] =	ssyncset.done $0x0  }
0x6d: {  	[sflag:s9] =	ssyncadd.s32 $0xFFFF8000  }
0x6e: {  	[hbm4b:s21+s3] =	stream.linear.scatter [tilespmem:s7], [sflag:$0x4], $0x8000, $0x38;
	[tilespmem:$0x18800] =	vst v63  }
0x6f: {  	_ =	swait.ge [sflag:s22], $0x8000  }
0x70: {  	[sflag:s22] =	ssyncset.done $0x0  }
0x71: {  	[sflag:s22] =	ssyncadd.s32 $0xFFFF8000  }
0x72: {  	[tilespmem:s12], [sflag:$0x3] =	stream.indirect.gather [hbm4b:s2+s6], $0x80, s23, s6, $0xb8;
	[tilespmem:$0x18800] =	vst v63  }
0x73: {  	_ =	swait.ge [sflag:s13], $0x8000  }
0x74: {  	[sflag:s13] =	ssyncset.done $0x0  }
0x75: {  	[sflag:s13] =	ssyncadd.s32 $0xFFFF8000  }
0x76: {  	[hbm4b:s24+s3] =	stream.linear.scatter [tilespmem:s8], [sflag:$0x5], $0x8000, $0x38;
	[tilespmem:$0x18800] =	vst v63  }
0x77: {  	_ =	swait.ge [sflag:s15], $0x8000  }
0x78: {  	[sflag:s15] =	ssyncset.done $0x0  }
0x79: {  	[sflag:s15] =	ssyncadd.s32 $0xFFFF8000  }
0x7a: {  	[tilespmem:s7], [sflag:$0x1] =	stream.indirect.gather [hbm4b:s2+s6], $0x80, s25, s6, $0xb8;
	[tilespmem:$0x18800] =	vst v63  }
0x7b: {  	_ =	swait.ge [sflag:s17], $0x8000  }
0x7c: {  	[sflag:s17] =	ssyncset.done $0x0  }
0x7d: {  	[sflag:s17] =	ssyncadd.s32 $0xFFFF8000  }
0x7e: {  	[hbm4b:s26+s3] =	stream.linear.scatter [tilespmem:s12], [sflag:$0x6], $0x8000, $0x38;
	[tilespmem:$0x18800] =	vst v63  }
0x7f: {  	_ =	swait.ge [sflag:s18], $0x8000  }
0x80: {  	[sflag:s18] =	ssyncset.done $0x0  }
0x81: {  	[sflag:s18] =	ssyncadd.s32 $0xFFFF8000  }
0x82: {  	[tilespmem:s8], [sflag:$0x2] =	stream.indirect.gather [hbm4b:s2+s6], $0x80, s28, s6, $0xb8;
	[tilespmem:$0x18800] =	vst v63  }
0x83: {  	_ =	swait.ge [sflag:s9], $0x8000  }
0x84: {  	[sflag:s9] =	ssyncset.done $0x0  }
0x85: {  	[sflag:s9] =	ssyncadd.s32 $0xFFFF8000  }
0x86: {  	[hbm4b:s29+s3] =	stream.linear.scatter [tilespmem:s7], [sflag:$0x4], $0x8000, $0x38;
	[tilespmem:$0x18800] =	vst v63  }
0x87: {  	_ =	swait.ge [sflag:s13], $0x8000  }
0x88: {  	[sflag:s13] =	ssyncset.done $0x0  }
0x89: {  	[sflag:s13] =	ssyncadd.s32 $0xFFFF8000  }
0x8a: {  	[hbm4b:s30+s3] =	stream.linear.scatter [tilespmem:s8], [sflag:$0x5], $0x8000, $0x38;
	[tilespmem:$0x18800] =	vst v63  }
0x8b: {  	_ =	swait.ge [sflag:s22], $0x8000  }
0x8c: {  	[sflag:s22] =	ssyncset.done $0x0  }
0x8d: {  	[sflag:s22] =	ssyncadd.s32 $0xFFFF8000  }
.Ltmp1:
0x8e: {  	_ =	swait.ge [sflag:s15], $0x8000;
	(pc) =	sbr.rel @p0 .LBB2_1-.Ltmp1, $4  }
0x8f: {  	[sflag:s15] =	ssyncset.done $0x0  }
0x90: {  	[sflag:s15] =	ssyncadd.s32 $0xFFFF8000  }
0x91: {  	_ =	swait.ge [sflag:s18], $0x8000  }
0x92: {  	[sflag:s18] =	ssyncset.done $0x0  }
.LBB2_2:
0x93: {  	[sflag:s18] =	ssyncadd.s32 $0xFFFF8000  }
0x94: {  	_ =	sfence.sel $0x180000  }
0x95: {  	[bflag:$0x0] =	sbarrier.arrive $0xFFFF  }
0x96: {  	_ =	strace $0x9000004A  }
0x97: {  	[bflag:$0x2] =	sbarrier.arrive $0xFFFF  }
0x98: {  	p0 =	sne.s32 s0, $0x0;
	s0 =	rddreg [dreg:$0x2]  }
0x99: {  	s0 =	sadd.s32 @!p0 $0x100000, s0  }
0x9a: {  	[sflag:s0] =	ssyncadd.tile.s32 @!p0 $0x1;
	_ =	shalt  }
.Lfunc_end2:
_tile_overlayer_lowered:
.L_overlay_start_2:
0x9b: {  	(tag) =	ssettag $0x2  }
0x9c: {  	s0 =	rddreg [dreg:$0x0];
	s2 =	stileid.u32  }
0x9d: {  	s1 =	rddreg [dreg:$0x1];
	p0 =	sne.s32 s2, $0x0  }
0x9e: {  	s3 =	rddreg [dreg:$0x2];
	[bflag:$0x3] =	sbarrier.arrive $0xFFFF;
	s2 =	simm.s32 @!p0 $0x1C07  }
0x9f: {  	[timem:s3], [sflag:s2] =	dma.local @!p0 [hbm:s0], s1  }
0xa0: {  	s0 =	simm.s32 @!p0 $0x7  }
0xa1: {  	_ =	swait.ge @!p0 [sflag:s0], s1  }
0xa2: {  	s1 =	ssub.s32 @!p0 $0x0, s1;
	[sflag:s0] =	ssyncset.done @!p0 $0x0  }
0xa3: {  	[sflag:s0] =	ssyncadd.s32 @!p0 s1  }
0xa4: {  	[bflag:$0x3] =	sbarrier.arrive $0xFFFF  }
0xa5: {  	_ =	shalt  }

// kernel: kernel.9.cloned.1.call-start
scs
__scs_entry_jumppad:
0x0: {  	(pc) =	sbr.rel $0x88, $3  }
0x1: {  	(tag) =	ssettag $0x0;
	lr =	simm.s32 $0x1  }
0x2: {  	[smem:$0x3F8F] =	sst lr;
	_ =	strace $0xD0000000  }
0x3: {  	_ = 	snop  }
0x4: {  	_ = 	snop  }
0x5: {  	_ = 	snop  }
0x6: {  	_ = 	snop  }
0x7: {  	_ = 	snop  }
__scs_overlays_trampoline_lowered:
0x8: {  	[smem:$0x3F9E] =	sst s0  }
0x9: {  	[smem:$0x3F9F] =	sst s1  }
0xa: {  	[smem:$0x3FA0] =	sst s2  }
0xb: {  	[smem:$0x3FA1] =	sst s3  }
0xc: {  	[smem:$0x3FA2] =	sst s4  }
0xd: {  	[smem:$0x3FA3] =	sst s5  }
0xe: {  	[smem:$0x3FA4] =	sst s6  }
0xf: {  	[smem:$0x3FA5] =	sst s7  }
0x10: {  	[smem:$0x3FA6] =	sst s8  }
0x11: {  	[smem:$0x3FA7] =	sst s9;
	s0 =	simm.s32 @!p0 $0x0  }
0x12: {  	s1 =	sld [smem:$0x3F8D];
	s0 =	simm.s32 @p0 $0x1  }
0x13: {  	[smem:$0x3FA8] =	sst s0;
	s0 =	simm.s32 @!p1 $0x0  }
0x14: {  	s2 =	sld [smem:$0x3F8C];
	s0 =	simm.s32 @p1 $0x1  }
0x15: {  	[smem:$0x3FA9] =	sst s0;
	s0 =	simm.s32 @!p2 $0x0  }
0x16: {  	s3 =	sld [smem:$0x3FDB];
	s0 =	simm.s32 @p2 $0x1  }
0x17: {  	s4 =	simm.s32 $0x1BF5;
	[smem:$0x3FAB] =	sst s0  }
0x18: {  	s0 =	sld [smem:$0x3F8E];
	_ =	swait.ge [sflag:s4], $0x0  }
0x19: {  	s7 =	sld [smem:$0x3F8F]  }
0x1a: {  	s8 =	sadd.s32 $0xFFFFE003, lr  }
0x1b: {  	s9 =	sadd.s32 $0xFFFFFEF7, lr;
	s5 =	simm.s32 $0xFFFFFFFF;
	p2 =	slt.u32 s8, $0xFFFFF086  }
0x1c: {  	p1 =	slt.u32 s9, $0xF7A;
	s5 =	simm.s32 @!p2 $0x0  }
0x1d: {  	s5 =	simm.s32 @p1 $0x1;
	p0 =	seq.s32 s7, s2  }
0x1e: {  	s7 =	smul.u32 @!p0 $0xF7A, s2;
	p2 =	seq.s32 @!p0 s5, $0x0  }
0x1f: {  	s9 =	smul.u32 $0xF7A, s1;
	s8 =	simm.s32 @!p0 $0x1BF5;
	p2 =	por !p2, p0  }
0x20: {  	[sflag:s8] =	ssyncset.s32 @!p0 $0xFFFFF086;
	s6 =	sadd.s32 @!p0 s3, s7;
	s7 =	simm.s32 @!p0 $0x108  }
0x21: {  	s3 =	sadd.s32 s3, s9;
	s6 =	sadd.s32 @!p0 $0x88, s6;
	s7 =	simm.s32 @p2 $0x1082  }
0x22: {  	[simem:s7], [sflag:s8] =	dma.local @!p0 [hbm:s6], $0xF7A  }
0x23: {  	s9 =	sor.u32 $0xD0000000, s2;
	s6 =	simm.s32 $0x108;
	_ =	swait.ge @!p0 [sflag:s8], $0x0  }
0x24: {  	s3 =	sadd.s32 $0x88, s3;
	s6 =	simm.s32 @!p1 $0x1082;
	[sflag:s4] =	ssyncset.s32 $0xFFFFF086  }
0x25: {  	[simem:s6], [sflag:s4] =	dma.local [hbm:s3], $0xF7A  }
0x26: {  	[smem:$0x3F8F] =	sst s1;
	(tag) =	ssettag s2;
	_ =	strace s9  }
0x27: {  	s1 =	sld [smem:$0x3F9F]  }
0x28: {  	s2 =	sld [smem:$0x3FA0]  }
0x29: {  	s4 =	sld [smem:$0x3FA2]  }
0x2a: {  	p0 =	seq.s32 s5, $0x0;
	s5 =	sld [smem:$0x3FA3]  }
0x2b: {  	s6 =	sld [smem:$0x3FA4]  }
0x2c: {  	s7 =	sld [smem:$0x3FA5]  }
0x2d: {  	s3 =	simm.s32 $0x108;
	s8 =	sld [smem:$0x3FA6]  }
0x2e: {  	s3 =	simm.s32 @!p0 $0x1082;
	s9 =	sld [smem:$0x3FA7]  }
0x2f: {  	lr =	sadd.s32 s0, s3;
	s0 =	sld [smem:$0x3F9E]  }
0x30: {  	s3 =	sld [smem:$0x3FA1]  }
0x31: {  	[smem:$0x3FAA] =	sst s10  }
0x32: {  	s10 =	sld [smem:$0x3FA8];
	_ =	sdelay $0x3  }
0x33: {  	p0 =	seq.s32 s10, $0x1;
	s10 =	sld [smem:$0x3FAA];
	_ =	sdelay $0x3  }
0x34: {  	[smem:$0x3FAA] =	sst s10  }
0x35: {  	s10 =	sld [smem:$0x3FA9];
	_ =	sdelay $0x3  }
0x36: {  	p1 =	seq.s32 s10, $0x1;
	s10 =	sld [smem:$0x3FAA];
	_ =	sdelay $0x3  }
0x37: {  	[smem:$0x3FAA] =	sst s10  }
0x38: {  	s10 =	sld [smem:$0x3FAB]  }
0x39: {  	_ = 	snop;
	(pc) =	sbr.ind lr, $3  }
0x3a: {  	_ = 	snop  }
0x3b: {  	_ = 	snop  }
0x3c: {  	p2 =	seq.s32 s10, $0x1;
	s10 =	sld [smem:$0x3FAA]  }
0x3d: {  	_ =	shalt  }
0x3e: {  	_ =	shalt  }
0x3f: {  	_ =	shalt  }
0x40: {  	_ =	shalt  }
0x41: {  	_ =	shalt  }
0x42: {  	_ =	shalt  }
0x43: {  	_ =	shalt  }
0x44: {  	_ =	shalt  }
0x45: {  	_ =	shalt  }
0x46: {  	_ =	shalt  }
0x47: {  	_ =	shalt  }
0x48: {  	_ =	shalt  }
0x49: {  	_ =	shalt  }
0x4a: {  	_ =	shalt  }
0x4b: {  	_ =	shalt  }
0x4c: {  	_ =	shalt  }
0x4d: {  	_ =	shalt  }
0x4e: {  	_ =	shalt  }
0x4f: {  	_ =	shalt  }
0x50: {  	_ =	shalt  }
0x51: {  	_ =	shalt  }
0x52: {  	_ =	shalt  }
0x53: {  	_ =	shalt  }
0x54: {  	_ =	shalt  }
0x55: {  	_ =	shalt  }
0x56: {  	_ =	shalt  }
0x57: {  	_ =	shalt  }
0x58: {  	_ =	shalt  }
0x59: {  	_ =	shalt  }
0x5a: {  	_ =	shalt  }
0x5b: {  	_ =	shalt  }
0x5c: {  	_ =	shalt  }
0x5d: {  	_ =	shalt  }
0x5e: {  	_ =	shalt  }
0x5f: {  	_ =	shalt  }
0x60: {  	_ =	shalt  }
0x61: {  	_ =	shalt  }
0x62: {  	_ =	shalt  }
0x63: {  	_ =	shalt  }
0x64: {  	_ =	shalt  }
0x65: {  	_ =	shalt  }
0x66: {  	_ =	shalt  }
0x67: {  	_ =	shalt  }
0x68: {  	_ =	shalt  }
0x69: {  	_ =	shalt  }
0x6a: {  	_ =	shalt  }
0x6b: {  	_ =	shalt  }
0x6c: {  	_ =	shalt  }
0x6d: {  	_ =	shalt  }
0x6e: {  	_ =	shalt  }
0x6f: {  	_ =	shalt  }
0x70: {  	_ =	shalt  }
0x71: {  	_ =	shalt  }
0x72: {  	_ =	shalt  }
0x73: {  	_ =	shalt  }
0x74: {  	_ =	shalt  }
0x75: {  	_ =	shalt  }
0x76: {  	_ =	shalt  }
0x77: {  	_ =	shalt  }
0x78: {  	_ =	shalt  }
0x79: {  	_ =	shalt  }
0x7a: {  	_ =	shalt  }
0x7b: {  	_ =	shalt  }
0x7c: {  	_ =	shalt  }
0x7d: {  	_ =	shalt  }
0x7e: {  	_ =	shalt  }
0x7f: {  	_ =	shalt  }
0x80: {  	_ =	shalt  }
0x81: {  	_ =	shalt  }
0x82: {  	_ =	shalt  }
0x83: {  	_ =	shalt  }
0x84: {  	_ =	shalt  }
0x85: {  	_ =	shalt  }
0x86: {  	_ =	shalt  }
0x87: {  	_ =	shalt  }
.Lfunc_end0:
.L_simem_size_0:
called_computation.1_lowered:
.L_overlay_start_0:
0x88: {  	s2 =	sld [smem:$0x3FD9]  }
0x89: {  	s3 =	sld [smem:$0x3FFE];
	_ =	sdelay $0x1  }
0x8a: {  	s1 =	srdreg.scid  }
0x8b: {  	s0 =	sand.u32 $0x1, s1  }
0x8c: {  	s17 =	sshll.u32 s0, $0xA;
	s2 =	sadd.s32 s3, s2  }
0x8d: {  	s2 =	sadd.s32 s2, s17  }
0x8e: {  	[smem:$0x3FB6] =	sst s2  }
0x8f: {  	_ = 	snop  }
0x90: {  	s2 =	sld [smem:$0x3FC8];
	(tm) =	ssettm $0x1  }
0x91: {  	s18 =	sld [smem:$0x3FFB];
	_ =	sdelay $0x3  }
0x92: {  	_ =	strace s18  }
0x93: {  	s3 =	sld [smem:$0x3FFC];
	_ =	sdelay $0x3  }
0x94: {  	_ =	strace s3  }
0x95: {  	s3 =	sld [smem:$0x3FFD];
	_ =	sdelay $0x3  }
0x96: {  	_ =	strace s3  }
0x97: {  	_ =	strace $0x8FFFFFFF  }
0x98: {  	s19 =	sld [smem:$0x3FDB];
	_ =	sdelay $0x1  }
0x99: {  	s4 =	simm.s32 $_scs_section_size  }
0x9a: {  	s5 =	simm.s32 $_size__tile_overlayer_lowered;
	s6 =	simm.s32 $_tile_overlayer_lowered  }
0x9b: {  	s22 =	simm.s32 $0x1BFF;
	s21 =	sshll.u32 s6, $0x1;
	s3 =	sadd.s32 s4, s19  }
0x9c: {  	s7 =	simm.s32 $0x0;
	s20 =	sshll.u32 s5, $0x1;
	s5 =	sadd.s32 s21, s3  }
0x9d: {  	[timem:s7], [sflag:s22] =	dma.local [hbm:s5], s20  }
0x9e: {  	_ =	swait.ge [sflag:s22], s20  }
0x9f: {  	s4 =	ssub.s32 $0x0, s20;
	[sflag:s22] =	ssyncset.done $0x0  }
0xa0: {  	[sflag:s22] =	ssyncadd.s32 s4;
	_ =	sdelay $0x1  }
0xa1: {  	s23 =	simm.s32 $0x1B8B  }
0xa2: {  	_ =	swait.ge [sflag:s23], $0x1  }
0xa3: {  	[sflag:s23] =	ssyncset.done $0x0  }
0xa4: {  	s25 =	simm.s32 $0x1B8E;
	s24 =	sld [smem:$0x3FFE];
	[sflag:s23] =	ssyncadd.s32 $0xFFFFFFFF  }
0xa5: {  	s26 =	simm.s32 $execute0_lowered;
	[smem:$0x3FD2] =	sst s25  }
0xa6: {  	s5 =	sshll.u32 s26, $0x1;
	_ =	strace $0x80000046;
	[dreg:$0x1] =	wrdreg $0xFFFFFFFF  }
0xa7: {  	s28 =	simm.s32 $_size_execute0_lowered;
	s3 =	sadd.s32 s3, s5;
	[dreg:$0x0] =	wrdreg $0x0  }
0xa8: {  	s5 =	sshll.u32 s28, $0x1;
	[dreg:$0x2] =	wrdreg s3  }
0xa9: {  	[dreg:$0x3] =	wrdreg s5  }
0xaa: {  	[dreg:$0x4] =	wrdreg $0xC0  }
0xab: {  	_ =	task [dreg:s7], $0x5FFFF  }
0xac: {  	[dreg:$0x1] =	wrdreg $0xFFFFFFFF  }
0xad: {  	[dreg:$0x0] =	wrdreg $0x60  }
0xae: {  	[dreg:$0x2] =	wrdreg s2  }
0xaf: {  	[dreg:$0x3] =	wrdreg s24  }
0xb0: {  	[dreg:$0x4] =	wrdreg $0xA  }
0xb1: {  	_ =	task.clear_ibuf [dreg:s7], $0x5FFFF;
	_ =	strace $0x90000046  }
0xb2: {  	s29 =	simm.s32 $0xA;
	_ =	strace $0x80000048  }
0xb3: {  	_ =	swait.ge [sflag:s29], $0x1  }
0xb4: {  	[sflag:s29] =	ssyncadd.s32 $0xFFFFFFFF  }
0xb5: {  	_ =	strace $0x90000048  }
0xb6: {  	_ =	sfence  }
0xb7: {  	s30 =	sld [smem:$0x0];
	_ =	sdelay $0x2  }
0xb8: {  	s31 =	sshll.u32 s1, $0xD;
	s1 =	sshrl.u32 s1, $0x2  }
0xb9: {  	s3 =	sand.u32 $0x4000, s31;
	s1 =	sadd.s32 s1, s30  }
0xba: {  	s0 =	sor.u32 s3, s0;
	s1 =	sshll.u32 s1, $0x11  }
0xbb: {  	s0 =	sor.u32 s1, s0  }
0xbc: {  	s0 =	sadd.s32 $0x8F2B, s0  }
0xbd: {  	[sflag:s0] =	ssyncadd.remote.s32 $0x1  }
0xbe: {  	_ =	sfence.sel $0xFFFF  }
0xbf: {  	[dreg:$0x0] =	wrdreg $0xFFFFFFFF;
	(pc) =	sbr.abs _section_cstart, $3  }
0xc0: {  	[dreg:$0x1] =	wrdreg $0xFFFFFFFF  }
0xc1: {  	_ =	task.clear_ibuf [dreg:s7], $0x2FFFF;
	_ =	strace $0x9FFFFFFF  }
0xc2: {  	(tm) =	ssettm $0x7FFFFFFF  }
0xc3: {  	_ =	shalt  }
tec
execute0_lowered:
.L_overlay_start_1:
0x0: {  	(tag) =	ssettag $0x1  }
0x1: {  	s1 =	srdreg.scid  }
0x2: {  	s0 =	stileid.u32;
	s31 =	sand.u32 $0x1, s1  }
0x3: {  	s26 =	sshll.u32 s0, $0xC;
	s3 =	sshll.u32 s31, $0xB  }
0x4: {  	s2 =	rddreg [dreg:$0x0];
	s11 =	sor.u32 s3, s26  }
0x5: {  	s10 =	rddreg [dreg:$0x1];
	s3 =	simm.s32 $0x0;
	s4 =	sshrl.u32 s11, $0x3  }
0x6: {  	[smem:$0x7FF] =	sst s3;
	s4 =	sadd.s32 s4, s10  }
0x7: {  	s5 =	simm.s32 $0x7;
	_ =	strace $0x80000047;
	s4 =	sadd.s32 $0x2600, s4  }
0x8: {  	[tilespmem:s3], [sflag:$0x7] =	stream.linear.gather [hbm4b:s4+s3], $0x800, $0x38;
	[tilespmem:$0x18800] =	vst v63  }
0x9: {  	_ =	swait.ge [sflag:s5], $0x800  }
0xa: {  	[sflag:s5] =	ssyncset.done $0x0  }
0xb: {  	s6 =	simm.s32 $0x100;
	s7 =	simm.s32 $0x800;
	[sflag:s5] =	ssyncadd.s32 $0xFFFFF800  }
0xc: {  	[tilespmem:s7], [sflag:$0x1] =	stream.indirect.gather [hbm4b:s2+s6], $0x80, s3, s6, $0xb8;
	[tilespmem:$0x18800] =	vst v63  }
0xd: {  	s8 =	simm.s32 $0x8800;
	s9 =	simm.s32 $0x1  }
0xe: {  	[tilespmem:s8], [sflag:$0x2] =	stream.indirect.gather [hbm4b:s2+s6], $0x80, s6, s6, $0xb8;
	[tilespmem:$0x18800] =	vst v63  }
0xf: {  	s11 =	sshll.u32 s11, $0x4;
	_ =	swait.ge [sflag:s9], $0x8000  }
0x10: {  	s30 =	sadd.s32 s11, s10;
	[sflag:s9] =	ssyncset.done $0x0  }
0x11: {  	s10 =	sadd.s32 $0x4600, s30;
	[sflag:s9] =	ssyncadd.s32 $0xFFFF8000  }
0x12: {  	[hbm4b:s10+s3] =	stream.linear.scatter [tilespmem:s7], [sflag:$0x4], $0x8000, $0x38;
	[tilespmem:$0x18800] =	vst v63  }
0x13: {  	s12 =	simm.s32 $0x10800;
	s13 =	simm.s32 $0x2;
	s11 =	simm.s32 $0x200  }
0x14: {  	[tilespmem:s12], [sflag:$0x3] =	stream.indirect.gather [hbm4b:s2+s6], $0x80, s11, s6, $0xb8;
	[tilespmem:$0x18800] =	vst v63  }
0x15: {  	_ =	swait.ge [sflag:s13], $0x8000  }
0x16: {  	[sflag:s13] =	ssyncset.done $0x0  }
0x17: {  	s15 =	simm.s32 $0x4;
	s14 =	sadd.s32 $0x5600, s30;
	[sflag:s13] =	ssyncadd.s32 $0xFFFF8000  }
0x18: {  	[hbm4b:s14+s3] =	stream.linear.scatter [tilespmem:s8], [sflag:$0x5], $0x8000, $0x38;
	[tilespmem:$0x18800] =	vst v63  }
0x19: {  	_ =	swait.ge [sflag:s15], $0x8000  }
0x1a: {  	[sflag:s15] =	ssyncset.done $0x0  }
0x1b: {  	s16 =	simm.s32 $0x300;
	s17 =	simm.s32 $0x3;
	[sflag:s15] =	ssyncadd.s32 $0xFFFF8000  }
0x1c: {  	[tilespmem:s7], [sflag:$0x1] =	stream.indirect.gather [hbm4b:s2+s6], $0x80, s16, s6, $0xb8;
	[tilespmem:$0x18800] =	vst v63  }
0x1d: {  	_ =	swait.ge [sflag:s17], $0x8000  }
0x1e: {  	[sflag:s17] =	ssyncset.done $0x0  }
0x1f: {  	s18 =	simm.s32 $0x5;
	s19 =	sadd.s32 $0x6600, s30;
	[sflag:s17] =	ssyncadd.s32 $0xFFFF8000  }
0x20: {  	[hbm4b:s19+s3] =	stream.linear.scatter [tilespmem:s12], [sflag:$0x6], $0x8000, $0x38;
	[tilespmem:$0x18800] =	vst v63  }
0x21: {  	_ =	swait.ge [sflag:s18], $0x8000  }
0x22: {  	[sflag:s18] =	ssyncset.done $0x0  }
0x23: {  	s20 =	simm.s32 $0x400;
	[sflag:s18] =	ssyncadd.s32 $0xFFFF8000  }
0x24: {  	[tilespmem:s8], [sflag:$0x2] =	stream.indirect.gather [hbm4b:s2+s6], $0x80, s20, s6, $0xb8;
	[tilespmem:$0x18800] =	vst v63  }
0x25: {  	_ =	swait.ge [sflag:s9], $0x8000  }
0x26: {  	[sflag:s9] =	ssyncset.done $0x0  }
0x27: {  	s22 =	simm.s32 $0x6;
	s21 =	sadd.s32 $0x7600, s30;
	[sflag:s9] =	ssyncadd.s32 $0xFFFF8000  }
0x28: {  	[hbm4b:s21+s3] =	stream.linear.scatter [tilespmem:s7], [sflag:$0x4], $0x8000, $0x38;
	[tilespmem:$0x18800] =	vst v63  }
0x29: {  	_ =	swait.ge [sflag:s22], $0x8000  }
0x2a: {  	[sflag:s22] =	ssyncset.done $0x0  }
0x2b: {  	s23 =	simm.s32 $0x500;
	[sflag:s22] =	ssyncadd.s32 $0xFFFF8000  }
0x2c: {  	[tilespmem:s12], [sflag:$0x3] =	stream.indirect.gather [hbm4b:s2+s6], $0x80, s23, s6, $0xb8;
	[tilespmem:$0x18800] =	vst v63  }
0x2d: {  	_ =	swait.ge [sflag:s13], $0x8000  }
0x2e: {  	[sflag:s13] =	ssyncset.done $0x0  }
0x2f: {  	s24 =	sadd.s32 $0x8600, s30;
	[sflag:s13] =	ssyncadd.s32 $0xFFFF8000  }
0x30: {  	[hbm4b:s24+s3] =	stream.linear.scatter [tilespmem:s8], [sflag:$0x5], $0x8000, $0x38;
	[tilespmem:$0x18800] =	vst v63  }
0x31: {  	_ =	swait.ge [sflag:s15], $0x8000  }
0x32: {  	[sflag:s15] =	ssyncset.done $0x0  }
0x33: {  	s25 =	simm.s32 $0x600;
	[sflag:s15] =	ssyncadd.s32 $0xFFFF8000  }
0x34: {  	[tilespmem:s7], [sflag:$0x1] =	stream.indirect.gather [hbm4b:s2+s6], $0x80, s25, s6, $0xb8;
	[tilespmem:$0x18800] =	vst v63  }
0x35: {  	_ =	swait.ge [sflag:s17], $0x8000  }
0x36: {  	[sflag:s17] =	ssyncset.done $0x0  }
0x37: {  	s26 =	sadd.s32 $0x9600, s30;
	[sflag:s17] =	ssyncadd.s32 $0xFFFF8000  }
0x38: {  	[hbm4b:s26+s3] =	stream.linear.scatter [tilespmem:s12], [sflag:$0x6], $0x8000, $0x38;
	[tilespmem:$0x18800] =	vst v63  }
0x39: {  	_ =	swait.ge [sflag:s18], $0x8000  }
0x3a: {  	[sflag:s18] =	ssyncset.done $0x0  }
0x3b: {  	s28 =	simm.s32 $0x700;
	[sflag:s18] =	ssyncadd.s32 $0xFFFF8000  }
0x3c: {  	[tilespmem:s8], [sflag:$0x2] =	stream.indirect.gather [hbm4b:s2+s6], $0x80, s28, s6, $0xb8;
	[tilespmem:$0x18800] =	vst v63  }
0x3d: {  	_ =	swait.ge [sflag:s9], $0x8000  }
0x3e: {  	[sflag:s9] =	ssyncset.done $0x0  }
0x3f: {  	s29 =	sadd.s32 $0xA600, s30;
	[sflag:s9] =	ssyncadd.s32 $0xFFFF8000  }
0x40: {  	[hbm4b:s29+s3] =	stream.linear.scatter [tilespmem:s7], [sflag:$0x4], $0x8000, $0x38;
	[tilespmem:$0x18800] =	vst v63  }
0x41: {  	_ =	swait.ge [sflag:s13], $0x8000  }
0x42: {  	s31 =	ssub.s32 $0x2, s31;
	[sflag:s13] =	ssyncset.done $0x0  }
0x43: {  	s1 =	sshrl.u32 s31, $0x1;
	s30 =	sadd.s32 $0xB600, s30;
	[sflag:s13] =	ssyncadd.s32 $0xFFFF8000  }
0x44: {  	[hbm4b:s30+s3] =	stream.linear.scatter [tilespmem:s8], [sflag:$0x5], $0x8000, $0x38;
	[tilespmem:$0x18800] =	vst v63  }
0x45: {  	s1 =	ssub.s32 s31, s1;
	_ =	swait.ge [sflag:s22], $0x8000  }
0x46: {  	s1 =	smax.u32 s1, $0x1;
	[sflag:s22] =	ssyncset.done $0x0  }
0x47: {  	p0 =	sne.s32 s1, $0x1;
	[sflag:s22] =	ssyncadd.s32 $0xFFFF8000  }
.Ltmp0:
0x48: {  	_ =	swait.ge [sflag:s15], $0x8000;
	(pc) =	sbr.rel @!p0 .LBB2_2-.Ltmp0, $4  }
0x49: {  	[sflag:s15] =	ssyncset.done $0x0  }
0x4a: {  	[sflag:s15] =	ssyncadd.s32 $0xFFFF8000  }
0x4b: {  	_ =	swait.ge [sflag:s18], $0x8000  }
0x4c: {  	s31 =	sadd.s32 $0xFFFFFFFF, s1;
	[sflag:s18] =	ssyncset.done $0x0  }
.LBB2_1:
0x4d: {  	p0 =	sne.s32 s31, $0x1;
	s31 =	sadd.s32 $0xFFFFFFFF, s31;
	[sflag:s18] =	ssyncadd.s32 $0xFFFF8000  }
0x4e: {  	[tilespmem:s3], [sflag:$0x7] =	stream.linear.gather [hbm4b:s4+s3], $0x800, $0x38;
	[tilespmem:$0x18800] =	vst v63  }
0x4f: {  	_ =	swait.ge [sflag:s5], $0x800  }
0x50: {  	[sflag:s5] =	ssyncset.done $0x0  }
0x51: {  	[sflag:s5] =	ssyncadd.s32 $0xFFFFF800  }
0x52: {  	[tilespmem:s7], [sflag:$0x1] =	stream.indirect.gather [hbm4b:s2+s6], $0x80, s3, s6, $0xb8;
	[tilespmem:$0x18800] =	vst v63  }
0x53: {  	_ = 	snop  }
0x54: {  	[tilespmem:s8], [sflag:$0x2] =	stream.indirect.gather [hbm4b:s2+s6], $0x80, s6, s6, $0xb8;
	[tilespmem:$0x18800] =	vst v63  }
0x55: {  	_ =	swait.ge [sflag:s9], $0x8000  }
0x56: {  	[sflag:s9] =	ssyncset.done $0x0  }
0x57: {  	[sflag:s9] =	ssyncadd.s32 $0xFFFF8000  }
0x58: {  	[hbm4b:s10+s3] =	stream.linear.scatter [tilespmem:s7], [sflag:$0x4], $0x8000, $0x38;
	[tilespmem:$0x18800] =	vst v63  }
0x59: {  	_ = 	snop  }
0x5a: {  	[tilespmem:s12], [sflag:$0x3] =	stream.indirect.gather [hbm4b:s2+s6], $0x80, s11, s6, $0xb8;
	[tilespmem:$0x18800] =	vst v63  }
0x5b: {  	_ =	swait.ge [sflag:s13], $0x8000  }
0x5c: {  	[sflag:s13] =	ssyncset.done $0x0  }
0x5d: {  	[sflag:s13] =	ssyncadd.s32 $0xFFFF8000  }
0x5e: {  	[hbm4b:s14+s3] =	stream.linear.scatter [tilespmem:s8], [sflag:$0x5], $0x8000, $0x38;
	[tilespmem:$0x18800] =	vst v63  }
0x5f: {  	_ =	swait.ge [sflag:s15], $0x8000  }
0x60: {  	[sflag:s15] =	ssyncset.done $0x0  }
0x61: {  	[sflag:s15] =	ssyncadd.s32 $0xFFFF8000  }
0x62: {  	[tilespmem:s7], [sflag:$0x1] =	stream.indirect.gather [hbm4b:s2+s6], $0x80, s16, s6, $0xb8;
	[tilespmem:$0x18800] =	vst v63  }
0x63: {  	_ =	swait.ge [sflag:s17], $0x8000  }
0x64: {  	[sflag:s17] =	ssyncset.done $0x0  }
0x65: {  	[sflag:s17] =	ssyncadd.s32 $0xFFFF8000  }
0x66: {  	[hbm4b:s19+s3] =	stream.linear.scatter [tilespmem:s12], [sflag:$0x6], $0x8000, $0x38;
	[tilespmem:$0x18800] =	vst v63  }
0x67: {  	_ =	swait.ge [sflag:s18], $0x8000  }
0x68: {  	[sflag:s18] =	ssyncset.done $0x0  }
0x69: {  	[sflag:s18] =	ssyncadd.s32 $0xFFFF8000  }
0x6a: {  	[tilespmem:s8], [sflag:$0x2] =	stream.indirect.gather [hbm4b:s2+s6], $0x80, s20, s6, $0xb8;
	[tilespmem:$0x18800] =	vst v63  }
0x6b: {  	_ =	swait.ge [sflag:s9], $0x8000  }
0x6c: {  	[sflag:s9] =	ssyncset.done $0x0  }
0x6d: {  	[sflag:s9] =	ssyncadd.s32 $0xFFFF8000  }
0x6e: {  	[hbm4b:s21+s3] =	stream.linear.scatter [tilespmem:s7], [sflag:$0x4], $0x8000, $0x38;
	[tilespmem:$0x18800] =	vst v63  }
0x6f: {  	_ =	swait.ge [sflag:s22], $0x8000  }
0x70: {  	[sflag:s22] =	ssyncset.done $0x0  }
0x71: {  	[sflag:s22] =	ssyncadd.s32 $0xFFFF8000  }
0x72: {  	[tilespmem:s12], [sflag:$0x3] =	stream.indirect.gather [hbm4b:s2+s6], $0x80, s23, s6, $0xb8;
	[tilespmem:$0x18800] =	vst v63  }
0x73: {  	_ =	swait.ge [sflag:s13], $0x8000  }
0x74: {  	[sflag:s13] =	ssyncset.done $0x0  }
0x75: {  	[sflag:s13] =	ssyncadd.s32 $0xFFFF8000  }
0x76: {  	[hbm4b:s24+s3] =	stream.linear.scatter [tilespmem:s8], [sflag:$0x5], $0x8000, $0x38;
	[tilespmem:$0x18800] =	vst v63  }
0x77: {  	_ =	swait.ge [sflag:s15], $0x8000  }
0x78: {  	[sflag:s15] =	ssyncset.done $0x0  }
0x79: {  	[sflag:s15] =	ssyncadd.s32 $0xFFFF8000  }
0x7a: {  	[tilespmem:s7], [sflag:$0x1] =	stream.indirect.gather [hbm4b:s2+s6], $0x80, s25, s6, $0xb8;
	[tilespmem:$0x18800] =	vst v63  }
0x7b: {  	_ =	swait.ge [sflag:s17], $0x8000  }
0x7c: {  	[sflag:s17] =	ssyncset.done $0x0  }
0x7d: {  	[sflag:s17] =	ssyncadd.s32 $0xFFFF8000  }
0x7e: {  	[hbm4b:s26+s3] =	stream.linear.scatter [tilespmem:s12], [sflag:$0x6], $0x8000, $0x38;
	[tilespmem:$0x18800] =	vst v63  }
0x7f: {  	_ =	swait.ge [sflag:s18], $0x8000  }
0x80: {  	[sflag:s18] =	ssyncset.done $0x0  }
0x81: {  	[sflag:s18] =	ssyncadd.s32 $0xFFFF8000  }
0x82: {  	[tilespmem:s8], [sflag:$0x2] =	stream.indirect.gather [hbm4b:s2+s6], $0x80, s28, s6, $0xb8;
	[tilespmem:$0x18800] =	vst v63  }
0x83: {  	_ =	swait.ge [sflag:s9], $0x8000  }
0x84: {  	[sflag:s9] =	ssyncset.done $0x0  }
0x85: {  	[sflag:s9] =	ssyncadd.s32 $0xFFFF8000  }
0x86: {  	[hbm4b:s29+s3] =	stream.linear.scatter [tilespmem:s7], [sflag:$0x4], $0x8000, $0x38;
	[tilespmem:$0x18800] =	vst v63  }
0x87: {  	_ =	swait.ge [sflag:s13], $0x8000  }
0x88: {  	[sflag:s13] =	ssyncset.done $0x0  }
0x89: {  	[sflag:s13] =	ssyncadd.s32 $0xFFFF8000  }
0x8a: {  	[hbm4b:s30+s3] =	stream.linear.scatter [tilespmem:s8], [sflag:$0x5], $0x8000, $0x38;
	[tilespmem:$0x18800] =	vst v63  }
0x8b: {  	_ =	swait.ge [sflag:s22], $0x8000  }
0x8c: {  	[sflag:s22] =	ssyncset.done $0x0  }
0x8d: {  	[sflag:s22] =	ssyncadd.s32 $0xFFFF8000  }
.Ltmp1:
0x8e: {  	_ =	swait.ge [sflag:s15], $0x8000;
	(pc) =	sbr.rel @p0 .LBB2_1-.Ltmp1, $4  }
0x8f: {  	[sflag:s15] =	ssyncset.done $0x0  }
0x90: {  	[sflag:s15] =	ssyncadd.s32 $0xFFFF8000  }
0x91: {  	_ =	swait.ge [sflag:s18], $0x8000  }
0x92: {  	[sflag:s18] =	ssyncset.done $0x0  }
.LBB2_2:
0x93: {  	[sflag:s18] =	ssyncadd.s32 $0xFFFF8000  }
0x94: {  	_ =	sfence.sel $0x180000  }
0x95: {  	[bflag:$0x0] =	sbarrier.arrive $0xFFFF  }
0x96: {  	_ =	strace $0x90000047  }
0x97: {  	[bflag:$0x2] =	sbarrier.arrive $0xFFFF  }
0x98: {  	p0 =	sne.s32 s0, $0x0;
	s0 =	rddreg [dreg:$0x2]  }
0x99: {  	s0 =	sadd.s32 @!p0 $0x100000, s0  }
0x9a: {  	[sflag:s0] =	ssyncadd.tile.s32 @!p0 $0x1;
	_ =	shalt  }
.Lfunc_end2:
_tile_overlayer_lowered:
.L_overlay_start_2:
0x9b: {  	(tag) =	ssettag $0x2  }
0x9c: {  	s0 =	rddreg [dreg:$0x0];
	s2 =	stileid.u32  }
0x9d: {  	s1 =	rddreg [dreg:$0x1];
	p0 =	sne.s32 s2, $0x0  }
0x9e: {  	s3 =	rddreg [dreg:$0x2];
	[bflag:$0x3] =	sbarrier.arrive $0xFFFF;
	s2 =	simm.s32 @!p0 $0x1C07  }
0x9f: {  	[timem:s3], [sflag:s2] =	dma.local @!p0 [hbm:s0], s1  }
0xa0: {  	s0 =	simm.s32 @!p0 $0x7  }
0xa1: {  	_ =	swait.ge @!p0 [sflag:s0], s1  }
0xa2: {  	s1 =	ssub.s32 @!p0 $0x0, s1;
	[sflag:s0] =	ssyncset.done @!p0 $0x0  }
0xa3: {  	[sflag:s0] =	ssyncadd.s32 @!p0 s1  }
0xa4: {  	[bflag:$0x3] =	sbarrier.arrive $0xFFFF  }
0xa5: {  	_ =	shalt  }

</sc_bundles>
